<compile_context>
chip_gen: v7x
topology: tpu7x:2x2x1
jax: 0.10.2.dev20260603
libtpu: 0.0.44.dev20260713+nightly
codegen_flags: <defaults>
</compile_context>

<pallas_src>
import functools

import jax
import jax.numpy as jnp
from jax import lax
from jax.experimental import pallas as pl
from jax.experimental.pallas import tpu as pltpu
from jax.experimental.pallas import tpu_sc as plsc

NC = 2
NS = 16
NW = NC * NS
CHUNK = 80
PCHUNK = 125
ROWS_PER_TILE = 640


def _sc_mesh():
    return plsc.VectorSubcoreMesh(
        core_axis_name="c", subcore_axis_name="s", num_cores=NC, num_subcores=NS
    )


def _make_deg_kernel(E, NP):
    e_per_w = E // NW
    n_chunks = e_per_w // PCHUNK

    @functools.partial(
        pl.kernel,
        out_type=jax.ShapeDtypeStruct((NC, NP), jnp.float32),
        mesh=_sc_mesh(),
        scratch_types=[
            pltpu.VMEM((n_chunks, 128), jnp.int32),
            pltpu.VMEM((n_chunks, 128), jnp.int32),
            pltpu.VMEM((128,), jnp.float32),
            pltpu.VMEM((ROWS_PER_TILE,), jnp.float32),
            pltpu.MemorySpace.VMEM_SHARED((NP + NW,), jnp.float32),
            pltpu.SemaphoreType.DMA,
        ],
    )
    def deg_kernel(packed_hbm, ones_hbm, zeros_hbm, out_hbm, pak_v, idst_v,
                   ones_v, buf_v, acc, sem):
        cid = lax.axis_index("c")
        sid = lax.axis_index("s")
        wid = cid * NS + sid
        row0 = pl.multiple_of(sid * ROWS_PER_TILE, 8)
        pltpu.sync_copy(packed_hbm.at[pl.ds(wid * n_chunks, n_chunks)], pak_v)
        pltpu.sync_copy(zeros_hbm, buf_v)
        pltpu.sync_copy(ones_hbm, ones_v)
        pltpu.sync_copy(buf_v, acc.at[pl.ds(row0, ROWS_PER_TILE)])

        def unpack(c, carry):
            for i in range(8):
                v = pak_v[c, pl.ds(i * 16, 16)]
                idst_v[c, pl.ds(i * 16, 16)] = lax.shift_right_logical(v, 16)
            return carry

        lax.fori_loop(0, n_chunks, unpack, 0)
        plsc.subcore_barrier()

        def fire(c, carry):
            pltpu.make_async_copy(ones_v, acc.at[idst_v.at[c]], sem).start(add=True)
            return carry

        lax.fori_loop(0, n_chunks, fire, 0)

        def drain(c, carry):
            pltpu.make_async_copy(ones_v, acc.at[idst_v.at[0]], sem).wait()
            return carry

        lax.fori_loop(0, n_chunks, drain, 0)
        plsc.subcore_barrier()
        pltpu.sync_copy(acc.at[pl.ds(row0, ROWS_PER_TILE)], buf_v)
        pltpu.sync_copy(buf_v, out_hbm.at[cid, pl.ds(row0, ROWS_PER_TILE)])

    return deg_kernel


def _make_agg_kernel(E, NP, D):
    e_per_w = E // NW
    n_chunks = e_per_w // CHUNK

    @functools.partial(
        pl.kernel,
        out_type=jax.ShapeDtypeStruct((NC, NP, D), jnp.float32),
        mesh=_sc_mesh(),
        scratch_types=[
            pltpu.VMEM((CHUNK,), jnp.int32),
            pltpu.VMEM((CHUNK,), jnp.int32),
            pltpu.VMEM((CHUNK, D), jnp.float32),
            pltpu.VMEM((128, D), jnp.float32),
            pltpu.MemorySpace.VMEM_SHARED((NP, D), jnp.float32),
            pltpu.SemaphoreType.DMA,
        ],
    )
    def agg_kernel(x_hbm, src_hbm, dst_hbm, zeros_hbm, out_hbm,
                   isrc, idst, rows, buf_v, acc, sem):
        cid = lax.axis_index("c")
        sid = lax.axis_index("s")
        wid = cid * NS + sid
        row0 = pl.multiple_of(sid * ROWS_PER_TILE, 8)
        pltpu.sync_copy(zeros_hbm, buf_v)
        for j in range(ROWS_PER_TILE // 128):
            pltpu.sync_copy(buf_v, acc.at[pl.ds(row0 + j * 128, 128)])
        plsc.subcore_barrier()
        base = wid * e_per_w

        def body(c, carry):
            off = pl.multiple_of(base + c * CHUNK, 8)
            pltpu.sync_copy(src_hbm.at[pl.ds(off, CHUNK)], isrc)
            pltpu.sync_copy(dst_hbm.at[pl.ds(off, CHUNK)], idst)
            pltpu.async_copy(x_hbm.at[isrc], rows, sem).wait()
            pltpu.sync_copy(rows, acc.at[idst], add=True)
            return carry

        lax.fori_loop(0, n_chunks, body, 0)
        plsc.subcore_barrier()
        for j in range(ROWS_PER_TILE // 128):
            r = pl.multiple_of(row0 + j * 128, 8)
            pltpu.sync_copy(acc.at[pl.ds(r, 128)], buf_v)
            pltpu.sync_copy(buf_v, out_hbm.at[cid, pl.ds(r, 128)])

    return agg_kernel


def _prep_body(deg_ref, x_ref, xs_ref):
    dinv = lax.rsqrt(deg_ref[...])
    xs_ref[...] = x_ref[...] * dinv


def _mm_body(aggp_ref, xs_ref, deg_ref, w1_ref, b1_ref, w2_ref, gs_ref):
    dinv = lax.rsqrt(deg_ref[...])
    a1 = (aggp_ref[0] + aggp_ref[1] + xs_ref[...]) * dinv
    h = jnp.dot(a1, w1_ref[...], preferred_element_type=jnp.float32,
                precision=lax.Precision.HIGHEST)
    h = jnp.maximum(h + b1_ref[...], 0.0)
    g = jnp.dot(h, w2_ref[...], preferred_element_type=jnp.float32,
                precision=lax.Precision.HIGHEST)
    gs = g * dinv
    gs_ref[...] = jnp.concatenate(
        [gs, jnp.zeros((gs.shape[0], 128 - gs.shape[1]), jnp.float32)], axis=1)


def _final_body(aggp_ref, gs_ref, deg_ref, b2_ref, o_ref):
    dout = b2_ref.shape[1]
    dinv = lax.rsqrt(deg_ref[...])
    zf = aggp_ref[0] + aggp_ref[1] + gs_ref[...]
    z = zf[:, :dout] * dinv + b2_ref[...]
    m = jnp.max(z, axis=1, keepdims=True)
    e = jnp.exp(z - m)
    s = jnp.sum(e, axis=1, keepdims=True)
    o_ref[...] = z - m - jnp.log(s)


def kernel(x, edge_index, W1, b1, W2, b2):
    N, DIN = x.shape
    DHID = W1.shape[1]
    DOUT = W2.shape[1]
    E = edge_index.shape[1]
    NP = NS * ROWS_PER_TILE
    assert N <= NP and E % (NW * CHUNK) == 0 and E % (NW * PCHUNK) == 0
    BM = NP // 5

    ei = edge_index.astype(jnp.int32)
    src = ei[0]
    dst = ei[1]
    packed = (dst << 16) | src
    dump = (NP + (jnp.arange(E // PCHUNK, dtype=jnp.int32)
                  // (E // PCHUNK // NW))) << 16
    pad_block = jnp.broadcast_to(dump[:, None], (E // PCHUNK, 128 - PCHUNK))
    packed = jnp.concatenate(
        [packed.reshape(E // PCHUNK, PCHUNK), pad_block], axis=1)
    x_p = jnp.pad(x, ((0, NP - N), (0, 0)))

    degp = _make_deg_kernel(E, NP)(
        packed,
        jnp.ones((128,), jnp.float32),
        jnp.zeros((ROWS_PER_TILE,), jnp.float32),
    )
    deg_col = (degp[0] + degp[1] + 1.0)[:, None]

    xs = pl.pallas_call(
        _prep_body,
        grid=(NP // BM,),
        in_specs=[
            pl.BlockSpec((BM, 1), lambda m: (m, 0)),
            pl.BlockSpec((BM, DIN), lambda m: (m, 0)),
        ],
        out_specs=pl.BlockSpec((BM, DIN), lambda m: (m, 0)),
        out_shape=jax.ShapeDtypeStruct((NP, DIN), jnp.float32),
    )(deg_col, x_p)

    agg1 = _make_agg_kernel(E, NP, DIN)(
        xs, src, dst, jnp.zeros((128, DIN), jnp.float32)
    )

    gs = pl.pallas_call(
        _mm_body,
        grid=(NP // BM,),
        in_specs=[
            pl.BlockSpec((NC, BM, DIN), lambda m: (0, m, 0)),
            pl.BlockSpec((BM, DIN), lambda m: (m, 0)),
            pl.BlockSpec((BM, 1), lambda m: (m, 0)),
            pl.BlockSpec((DIN, DHID), lambda m: (0, 0)),
            pl.BlockSpec((1, DHID), lambda m: (0, 0)),
            pl.BlockSpec((DHID, DOUT), lambda m: (0, 0)),
        ],
        out_specs=pl.BlockSpec((BM, 128), lambda m: (m, 0)),
        out_shape=jax.ShapeDtypeStruct((NP, 128), jnp.float32),
    )(agg1, xs, deg_col, W1, b1.reshape(1, DHID), W2)

    agg2 = _make_agg_kernel(E, NP, 128)(
        gs, src, dst, jnp.zeros((128, 128), jnp.float32)
    )

    out = pl.pallas_call(
        _final_body,
        grid=(NP // BM,),
        in_specs=[
            pl.BlockSpec((NC, BM, 128), lambda m: (0, m, 0)),
            pl.BlockSpec((BM, 128), lambda m: (m, 0)),
            pl.BlockSpec((BM, 1), lambda m: (m, 0)),
            pl.BlockSpec((1, DOUT), lambda m: (0, 0)),
        ],
        out_specs=pl.BlockSpec((BM, DOUT), lambda m: (m, 0)),
        out_shape=jax.ShapeDtypeStruct((NP, DOUT), jnp.float32),
    )(agg2, gs, deg_col, b2.reshape(1, DOUT))

    return out[:N]

# --- scband reference (transcript-rebuilt; emitter-appended) ---
"""Pipeline reference for scband-gcn-70772471103690 (READ-ONLY COPY).

The authoritative reference and input builder live on the scoring server;
editing this copy changes nothing except your own understanding.
"""

import jax, jax.numpy as jnp
import numpy as np

N_NODES = 10000
N_EDGES = 320000
D_IN = 128
D_HID = 256
D_OUT = 64


def setup_inputs(seed: int = 0) -> dict:
    key = jax.random.key(seed)
    k1, k2, k3, k4, k5, k6 = jax.random.split(key, 6)
    x = jax.random.normal(k1, (N_NODES, D_IN), dtype=jnp.float32)
    edge_index = jax.random.randint(k2, (2, N_EDGES), 0, N_NODES, dtype=jnp.int64)
    # Glorot-style init for the two GCNConv layers
    W1 = jax.random.normal(k3, (D_IN, D_HID), dtype=jnp.float32) * (1.0 / np.sqrt(D_IN))
    b1 = jnp.zeros((D_HID,), dtype=jnp.float32)
    W2 = jax.random.normal(k4, (D_HID, D_OUT), dtype=jnp.float32) * (1.0 / np.sqrt(D_HID))
    b2 = jnp.zeros((D_OUT,), dtype=jnp.float32)
    return {"x": x, "edge_index": edge_index, "W1": W1, "b1": b1, "W2": W2, "b2": b2}


def gcn_conv(x, edge_index, W, b, num_nodes):
    # PyG GCNConv: add self-loops, symmetric normalization D^-1/2 (A+I) D^-1/2, then linear
    loop = jnp.arange(num_nodes, dtype=edge_index.dtype)
    src = jnp.concatenate([edge_index[0], loop])
    dst = jnp.concatenate([edge_index[1], loop])
    deg = jnp.zeros((num_nodes,), dtype=x.dtype).at[dst].add(1.0)
    deg_inv_sqrt = jnp.where(deg > 0, 1.0 / jnp.sqrt(deg), 0.0)
    norm = deg_inv_sqrt[src] * deg_inv_sqrt[dst]
    h = x @ W
    msg = h[src] * norm[:, None]
    out = jnp.zeros((num_nodes, h.shape[1]), dtype=x.dtype).at[dst].add(msg)
    return out + b


def reference(x, edge_index, W1, b1, W2, b2):
    num_nodes = x.shape[0]
    h = gcn_conv(x, edge_index, W1, b1, num_nodes)
    h = jax.nn.relu(h)
    # dropout p=0 -> identity
    h = gcn_conv(h, edge_index, W2, b2, num_nodes)
    return jax.nn.log_softmax(h, axis=1)

if __name__ == "__main__":
    import jax
    _d = setup_inputs()
    print(jax.jit(kernel)(*tuple(_d.values())))

</pallas_src>

<mosaic_0001>
#map = affine_map<(d0, d1) -> (0, 0)>
#map1 = affine_map<(d0, d1) -> (0)>
module attributes {stable_mosaic.version = 14 : i64} {
  func.func @deg_kernel(%arg0: i32, %arg1: i32, %arg2: memref<2560x128xi32, #tpu.memory_space<hbm>>, %arg3: memref<128xf32, #tpu.memory_space<hbm>>, %arg4: memref<640xf32, #tpu.memory_space<hbm>>, %arg5: memref<2x10240xf32, #tpu.memory_space<hbm>>, %arg6: memref<80x128xi32, #tpu.memory_space<vmem>>, %arg7: memref<80x128xi32, #tpu.memory_space<vmem>>, %arg8: memref<128xf32, #tpu.memory_space<vmem>>, %arg9: memref<640xf32, #tpu.memory_space<vmem>>, %arg10: memref<10272xf32, #tpu.memory_space<vmem_shared>>, %arg11: memref<!tpu.dma_semaphore, #tpu.memory_space<semaphore_mem>>) attributes {dimension_semantics = [#tpu.dimension_semantics<core_parallel>, #tpu.dimension_semantics<subcore_parallel>], iteration_bounds = array<i64: 2, 16>, scalar_prefetch = 0 : i64, scratch_operands = 6 : i64, tpu.core_type = #tpu.core_type<sc_vector_subcore>, window_params = [{transform_indices = #map}, {transform_indices = #map1}, {transform_indices = #map1}, {transform_indices = #map}]} {
    %mul3A = arith.constant 16 : i32
    %mul3A_0 = arith.muli %arg0, %mul3A : i32
    %add3A = arith.addi %mul3A_0, %arg1 : i32
    %mul3A_1 = arith.constant 640 : i32
    %mul3A_2 = arith.muli %arg1, %mul3A_1 : i32
    %multiple_of3A = tpu.assume_multiple %mul3A_2, 8 : i32
    %mul3A_3 = arith.constant 80 : i32
    %mul3A_4 = arith.muli %add3A, %mul3A_3 : i32
    "tpu.region"() ({
      %run_scoped3A = tpu.sem_alloc : memref<!tpu.dma_semaphore, #tpu.memory_space<semaphore_mem>>
      %dma_start3A = arith.constant 0 : i32
      %dma_start3A_23 = tpu.memref_slice %arg2[%mul3A_4, %dma_start3A] : memref<2560x128xi32, #tpu.memory_space<hbm>> -> memref<80x128xi32, #tpu.memory_space<hbm>>
      %dma_start3A_24 = arith.constant 0 : i32
      %dma_start3A_25 = tpu.memref_slice %arg2[%mul3A_4, %dma_start3A_24] : memref<2560x128xi32, #tpu.memory_space<hbm>> -> memref<80x128xi32, #tpu.memory_space<hbm>>
      tpu.enqueue_dma source(%dma_start3A_25 : memref<80x128xi32, #tpu.memory_space<hbm>>) target(%arg6 : memref<80x128xi32, #tpu.memory_space<vmem>>) target_semaphore(%run_scoped3A : memref<!tpu.dma_semaphore, #tpu.memory_space<semaphore_mem>>)
      %dma_wait3A = arith.constant 0 : i32
      %dma_wait3A_26 = tpu.memref_slice %arg2[%mul3A_4, %dma_wait3A] : memref<2560x128xi32, #tpu.memory_space<hbm>> -> memref<80x128xi32, #tpu.memory_space<hbm>>
      %dma_wait3A_27 = arith.constant 0 : i32
      %dma_wait3A_28 = tpu.memref_slice %arg2[%mul3A_4, %dma_wait3A_27] : memref<2560x128xi32, #tpu.memory_space<hbm>> -> memref<80x128xi32, #tpu.memory_space<hbm>>
      tpu.wait_dma2 semaphore(%run_scoped3A : memref<!tpu.dma_semaphore, #tpu.memory_space<semaphore_mem>>) src(%dma_wait3A_28 : memref<80x128xi32, #tpu.memory_space<hbm>>) dst(%arg6 : memref<80x128xi32, #tpu.memory_space<vmem>>)
      tpu.yield
    }) : () -> ()
    "tpu.region"() ({
      %run_scoped3A = tpu.sem_alloc : memref<!tpu.dma_semaphore, #tpu.memory_space<semaphore_mem>>
      tpu.enqueue_dma source(%arg4 : memref<640xf32, #tpu.memory_space<hbm>>) target(%arg9 : memref<640xf32, #tpu.memory_space<vmem>>) target_semaphore(%run_scoped3A : memref<!tpu.dma_semaphore, #tpu.memory_space<semaphore_mem>>)
      tpu.wait_dma2 semaphore(%run_scoped3A : memref<!tpu.dma_semaphore, #tpu.memory_space<semaphore_mem>>) src(%arg4 : memref<640xf32, #tpu.memory_space<hbm>>) dst(%arg9 : memref<640xf32, #tpu.memory_space<vmem>>)
      tpu.yield
    }) : () -> ()
    "tpu.region"() ({
      %run_scoped3A = tpu.sem_alloc : memref<!tpu.dma_semaphore, #tpu.memory_space<semaphore_mem>>
      tpu.enqueue_dma source(%arg3 : memref<128xf32, #tpu.memory_space<hbm>>) target(%arg8 : memref<128xf32, #tpu.memory_space<vmem>>) target_semaphore(%run_scoped3A : memref<!tpu.dma_semaphore, #tpu.memory_space<semaphore_mem>>)
      tpu.wait_dma2 semaphore(%run_scoped3A : memref<!tpu.dma_semaphore, #tpu.memory_space<semaphore_mem>>) src(%arg3 : memref<128xf32, #tpu.memory_space<hbm>>) dst(%arg8 : memref<128xf32, #tpu.memory_space<vmem>>)
      tpu.yield
    }) : () -> ()
    "tpu.region"() ({
      %run_scoped3A = tpu.sem_alloc : memref<!tpu.dma_semaphore, #tpu.memory_space<semaphore_mem>>
      %dma_start3A = tpu.memref_slice %arg10[%multiple_of3A] : memref<10272xf32, #tpu.memory_space<vmem_shared>> -> memref<640xf32, #tpu.memory_space<vmem_shared>>
      %dma_start3A_23 = tpu.memref_slice %arg10[%multiple_of3A] : memref<10272xf32, #tpu.memory_space<vmem_shared>> -> memref<640xf32, #tpu.memory_space<vmem_shared>>
      tpu.enqueue_dma source(%arg9 : memref<640xf32, #tpu.memory_space<vmem>>) target(%dma_start3A_23 : memref<640xf32, #tpu.memory_space<vmem_shared>>) target_semaphore(%run_scoped3A : memref<!tpu.dma_semaphore, #tpu.memory_space<semaphore_mem>>)
      %dma_wait3A = tpu.memref_slice %arg10[%multiple_of3A] : memref<10272xf32, #tpu.memory_space<vmem_shared>> -> memref<640xf32, #tpu.memory_space<vmem_shared>>
      %dma_wait3A_24 = tpu.memref_slice %arg10[%multiple_of3A] : memref<10272xf32, #tpu.memory_space<vmem_shared>> -> memref<640xf32, #tpu.memory_space<vmem_shared>>
      tpu.wait_dma2 semaphore(%run_scoped3A : memref<!tpu.dma_semaphore, #tpu.memory_space<semaphore_mem>>) src(%arg9 : memref<640xf32, #tpu.memory_space<vmem>>) dst(%dma_wait3A_24 : memref<640xf32, #tpu.memory_space<vmem_shared>>)
      tpu.yield
    }) : () -> ()
    %scan3A = arith.constant 0 : i32
    %scan3A_5 = arith.constant 0 : i32
    %scan3A_6 = arith.constant 80 : i32
    %scan3A_7 = arith.addi %scan3A_5, %scan3A_6 : i32
    %scan3A_8 = arith.constant 1 : i32
    scf.for %scan3A_23 = %scan3A_5 to %scan3A_7 step %scan3A_8  : i32 {
      %get3A = arith.index_cast %scan3A_23 : i32 to index
      %get3A_24 = arith.constant 0 : index
      %get3A_25 = tpu.vector_load %arg6[%get3A, %get3A_24] {strides = array<i32>} : memref<80x128xi32, #tpu.memory_space<vmem>>, vector<1x16xi32>,
      %get3A_26 = vector.shape_cast %get3A_25 : vector<1x16xi32> to vector<16xi32>
      %shift_right_logical3A = arith.constant 16 : i32
      %shift_right_logical3A_27 = vector.broadcast %shift_right_logical3A : i32 to vector<16xi32>
      %shift_right_logical3A_28 = arith.shrui %get3A_26, %shift_right_logical3A_27 : vector<16xi32>
      %swap3A = arith.index_cast %scan3A_23 : i32 to index
      %swap3A_29 = arith.constant 0 : index
      %swap3A_30 = tpu.vector_load %arg7[%swap3A, %swap3A_29] {strides = array<i32>} : memref<80x128xi32, #tpu.memory_space<vmem>>, vector<1x16xi32>,
      %swap3A_31 = vector.shape_cast %swap3A_30 : vector<1x16xi32> to vector<16xi32>
      %swap3A_32 = vector.shape_cast %shift_right_logical3A_28 : vector<16xi32> to vector<1x16xi32>
      tpu.vector_store %arg7[%swap3A, %swap3A_29], %swap3A_32 {strides = array<i32>} : memref<80x128xi32, #tpu.memory_space<vmem>>, vector<1x16xi32>,
      %get3A_33 = arith.index_cast %scan3A_23 : i32 to index
      %get3A_34 = arith.constant 16 : index
      %get3A_35 = tpu.vector_load %arg6[%get3A_33, %get3A_34] {strides = array<i32>} : memref<80x128xi32, #tpu.memory_space<vmem>>, vector<1x16xi32>,
      %get3A_36 = vector.shape_cast %get3A_35 : vector<1x16xi32> to vector<16xi32>
      %shift_right_logical3A_37 = arith.constant 16 : i32
      %shift_right_logical3A_38 = vector.broadcast %shift_right_logical3A_37 : i32 to vector<16xi32>
      %shift_right_logical3A_39 = arith.shrui %get3A_36, %shift_right_logical3A_38 : vector<16xi32>
      %swap3A_40 = arith.index_cast %scan3A_23 : i32 to index
      %swap3A_41 = arith.constant 16 : index
      %swap3A_42 = tpu.vector_load %arg7[%swap3A_40, %swap3A_41] {strides = array<i32>} : memref<80x128xi32, #tpu.memory_space<vmem>>, vector<1x16xi32>,
      %swap3A_43 = vector.shape_cast %swap3A_42 : vector<1x16xi32> to vector<16xi32>
      %swap3A_44 = vector.shape_cast %shift_right_logical3A_39 : vector<16xi32> to vector<1x16xi32>
      tpu.vector_store %arg7[%swap3A_40, %swap3A_41], %swap3A_44 {strides = array<i32>} : memref<80x128xi32, #tpu.memory_space<vmem>>, vector<1x16xi32>,
      %get3A_45 = arith.index_cast %scan3A_23 : i32 to index
      %get3A_46 = arith.constant 32 : index
      %get3A_47 = tpu.vector_load %arg6[%get3A_45, %get3A_46] {strides = array<i32>} : memref<80x128xi32, #tpu.memory_space<vmem>>, vector<1x16xi32>,
      %get3A_48 = vector.shape_cast %get3A_47 : vector<1x16xi32> to vector<16xi32>
      %shift_right_logical3A_49 = arith.constant 16 : i32
      %shift_right_logical3A_50 = vector.broadcast %shift_right_logical3A_49 : i32 to vector<16xi32>
      %shift_right_logical3A_51 = arith.shrui %get3A_48, %shift_right_logical3A_50 : vector<16xi32>
      %swap3A_52 = arith.index_cast %scan3A_23 : i32 to index
      %swap3A_53 = arith.constant 32 : index
      %swap3A_54 = tpu.vector_load %arg7[%swap3A_52, %swap3A_53] {strides = array<i32>} : memref<80x128xi32, #tpu.memory_space<vmem>>, vector<1x16xi32>,
      %swap3A_55 = vector.shape_cast %swap3A_54 : vector<1x16xi32> to vector<16xi32>
      %swap3A_56 = vector.shape_cast %shift_right_logical3A_51 : vector<16xi32> to vector<1x16xi32>
      tpu.vector_store %arg7[%swap3A_52, %swap3A_53], %swap3A_56 {strides = array<i32>} : memref<80x128xi32, #tpu.memory_space<vmem>>, vector<1x16xi32>,
      %get3A_57 = arith.index_cast %scan3A_23 : i32 to index
      %get3A_58 = arith.constant 48 : index
      %get3A_59 = tpu.vector_load %arg6[%get3A_57, %get3A_58] {strides = array<i32>} : memref<80x128xi32, #tpu.memory_space<vmem>>, vector<1x16xi32>,
      %get3A_60 = vector.shape_cast %get3A_59 : vector<1x16xi32> to vector<16xi32>
      %shift_right_logical3A_61 = arith.constant 16 : i32
      %shift_right_logical3A_62 = vector.broadcast %shift_right_logical3A_61 : i32 to vector<16xi32>
      %shift_right_logical3A_63 = arith.shrui %get3A_60, %shift_right_logical3A_62 : vector<16xi32>
      %swap3A_64 = arith.index_cast %scan3A_23 : i32 to index
      %swap3A_65 = arith.constant 48 : index
      %swap3A_66 = tpu.vector_load %arg7[%swap3A_64, %swap3A_65] {strides = array<i32>} : memref<80x128xi32, #tpu.memory_space<vmem>>, vector<1x16xi32>,
      %swap3A_67 = vector.shape_cast %swap3A_66 : vector<1x16xi32> to vector<16xi32>
      %swap3A_68 = vector.shape_cast %shift_right_logical3A_63 : vector<16xi32> to vector<1x16xi32>
      tpu.vector_store %arg7[%swap3A_64, %swap3A_65], %swap3A_68 {strides = array<i32>} : memref<80x128xi32, #tpu.memory_space<vmem>>, vector<1x16xi32>,
      %get3A_69 = arith.index_cast %scan3A_23 : i32 to index
      %get3A_70 = arith.constant 64 : index
      %get3A_71 = tpu.vector_load %arg6[%get3A_69, %get3A_70] {strides = array<i32>} : memref<80x128xi32, #tpu.memory_space<vmem>>, vector<1x16xi32>,
      %get3A_72 = vector.shape_cast %get3A_71 : vector<1x16xi32> to vector<16xi32>
      %shift_right_logical3A_73 = arith.constant 16 : i32
      %shift_right_logical3A_74 = vector.broadcast %shift_right_logical3A_73 : i32 to vector<16xi32>
      %shift_right_logical3A_75 = arith.shrui %get3A_72, %shift_right_logical3A_74 : vector<16xi32>
      %swap3A_76 = arith.index_cast %scan3A_23 : i32 to index
      %swap3A_77 = arith.constant 64 : index
      %swap3A_78 = tpu.vector_load %arg7[%swap3A_76, %swap3A_77] {strides = array<i32>} : memref<80x128xi32, #tpu.memory_space<vmem>>, vector<1x16xi32>,
      %swap3A_79 = vector.shape_cast %swap3A_78 : vector<1x16xi32> to vector<16xi32>
      %swap3A_80 = vector.shape_cast %shift_right_logical3A_75 : vector<16xi32> to vector<1x16xi32>
      tpu.vector_store %arg7[%swap3A_76, %swap3A_77], %swap3A_80 {strides = array<i32>} : memref<80x128xi32, #tpu.memory_space<vmem>>, vector<1x16xi32>,
      %get3A_81 = arith.index_cast %scan3A_23 : i32 to index
      %get3A_82 = arith.constant 80 : index
      %get3A_83 = tpu.vector_load %arg6[%get3A_81, %get3A_82] {strides = array<i32>} : memref<80x128xi32, #tpu.memory_space<vmem>>, vector<1x16xi32>,
      %get3A_84 = vector.shape_cast %get3A_83 : vector<1x16xi32> to vector<16xi32>
      %shift_right_logical3A_85 = arith.constant 16 : i32
      %shift_right_logical3A_86 = vector.broadcast %shift_right_logical3A_85 : i32 to vector<16xi32>
      %shift_right_logical3A_87 = arith.shrui %get3A_84, %shift_right_logical3A_86 : vector<16xi32>
      %swap3A_88 = arith.index_cast %scan3A_23 : i32 to index
      %swap3A_89 = arith.constant 80 : index
      %swap3A_90 = tpu.vector_load %arg7[%swap3A_88, %swap3A_89] {strides = array<i32>} : memref<80x128xi32, #tpu.memory_space<vmem>>, vector<1x16xi32>,
      %swap3A_91 = vector.shape_cast %swap3A_90 : vector<1x16xi32> to vector<16xi32>
      %swap3A_92 = vector.shape_cast %shift_right_logical3A_87 : vector<16xi32> to vector<1x16xi32>
      tpu.vector_store %arg7[%swap3A_88, %swap3A_89], %swap3A_92 {strides = array<i32>} : memref<80x128xi32, #tpu.memory_space<vmem>>, vector<1x16xi32>,
      %get3A_93 = arith.index_cast %scan3A_23 : i32 to index
      %get3A_94 = arith.constant 96 : index
      %get3A_95 = tpu.vector_load %arg6[%get3A_93, %get3A_94] {strides = array<i32>} : memref<80x128xi32, #tpu.memory_space<vmem>>, vector<1x16xi32>,
      %get3A_96 = vector.shape_cast %get3A_95 : vector<1x16xi32> to vector<16xi32>
      %shift_right_logical3A_97 = arith.constant 16 : i32
      %shift_right_logical3A_98 = vector.broadcast %shift_right_logical3A_97 : i32 to vector<16xi32>
      %shift_right_logical3A_99 = arith.shrui %get3A_96, %shift_right_logical3A_98 : vector<16xi32>
      %swap3A_100 = arith.index_cast %scan3A_23 : i32 to index
      %swap3A_101 = arith.constant 96 : index
      %swap3A_102 = tpu.vector_load %arg7[%swap3A_100, %swap3A_101] {strides = array<i32>} : memref<80x128xi32, #tpu.memory_space<vmem>>, vector<1x16xi32>,
      %swap3A_103 = vector.shape_cast %swap3A_102 : vector<1x16xi32> to vector<16xi32>
      %swap3A_104 = vector.shape_cast %shift_right_logical3A_99 : vector<16xi32> to vector<1x16xi32>
      tpu.vector_store %arg7[%swap3A_100, %swap3A_101], %swap3A_104 {strides = array<i32>} : memref<80x128xi32, #tpu.memory_space<vmem>>, vector<1x16xi32>,
      %get3A_105 = arith.index_cast %scan3A_23 : i32 to index
      %get3A_106 = arith.constant 112 : index
      %get3A_107 = tpu.vector_load %arg6[%get3A_105, %get3A_106] {strides = array<i32>} : memref<80x128xi32, #tpu.memory_space<vmem>>, vector<1x16xi32>,
      %get3A_108 = vector.shape_cast %get3A_107 : vector<1x16xi32> to vector<16xi32>
      %shift_right_logical3A_109 = arith.constant 16 : i32
      %shift_right_logical3A_110 = vector.broadcast %shift_right_logical3A_109 : i32 to vector<16xi32>
      %shift_right_logical3A_111 = arith.shrui %get3A_108, %shift_right_logical3A_110 : vector<16xi32>
      %swap3A_112 = arith.index_cast %scan3A_23 : i32 to index
      %swap3A_113 = arith.constant 112 : index
      %swap3A_114 = tpu.vector_load %arg7[%swap3A_112, %swap3A_113] {strides = array<i32>} : memref<80x128xi32, #tpu.memory_space<vmem>>, vector<1x16xi32>,
      %swap3A_115 = vector.shape_cast %swap3A_114 : vector<1x16xi32> to vector<16xi32>
      %swap3A_116 = vector.shape_cast %shift_right_logical3A_111 : vector<16xi32> to vector<1x16xi32>
      tpu.vector_store %arg7[%swap3A_112, %swap3A_113], %swap3A_116 {strides = array<i32>} : memref<80x128xi32, #tpu.memory_space<vmem>>, vector<1x16xi32>,
    }
    %scan3A_9 = arith.constant 80 : i32
    %barrier3A = arith.constant 0 : index
    tpu.barrier barrier_id(%barrier3A)
    %scan3A_10 = arith.constant 0 : i32
    %scan3A_11 = arith.constant 0 : i32
    %scan3A_12 = arith.constant 80 : i32
    %scan3A_13 = arith.addi %scan3A_11, %scan3A_12 : i32
    %scan3A_14 = arith.constant 1 : i32
    scf.for %scan3A_23 = %scan3A_11 to %scan3A_13 step %scan3A_14  : i32 {
      %dma_start3A = arith.constant 0 : i32
      %dma_start3A_24 = tpu.memref_slice %arg7[%scan3A_23, %dma_start3A] : memref<80x128xi32, #tpu.memory_space<vmem>> -> memref<1x128xi32, #tpu.memory_space<vmem>>
      %dma_start3A_25 = tpu.memref_squeeze %dma_start3A_24 : memref<1x128xi32, #tpu.memory_space<vmem>> -> memref<128xi32, #tpu.memory_space<vmem>>
      %dma_start3A_26 = arith.constant 0 : i32
      %dma_start3A_27 = tpu.memref_slice %arg10[%dma_start3A_26] : memref<10272xf32, #tpu.memory_space<vmem_shared>> -> memref<10272xf32, #tpu.memory_space<vmem_shared>>
      tpu.enqueue_indirect_dma source(%arg8 : memref<128xf32, #tpu.memory_space<vmem>>) target(%dma_start3A_27 : memref<10272xf32, #tpu.memory_space<vmem_shared>>) offsets(%dma_start3A_25 : memref<128xi32, #tpu.memory_space<vmem>>) semaphore(%arg11 : memref<!tpu.dma_semaphore, #tpu.memory_space<semaphore_mem>>) {add = true}
    }
    %scan3A_15 = arith.constant 80 : i32
    %scan3A_16 = arith.constant 0 : i32
    %scan3A_17 = arith.constant 0 : i32
    %scan3A_18 = arith.constant 80 : i32
    %scan3A_19 = arith.addi %scan3A_17, %scan3A_18 : i32
    %scan3A_20 = arith.constant 1 : i32
    scf.for %scan3A_23 = %scan3A_17 to %scan3A_19 step %scan3A_20  : i32 {
      %dma_wait3A = arith.constant 0 : i32
      %dma_wait3A_24 = arith.constant 0 : i32
      %dma_wait3A_25 = tpu.memref_slice %arg7[%dma_wait3A, %dma_wait3A_24] : memref<80x128xi32, #tpu.memory_space<vmem>> -> memref<1x128xi32, #tpu.memory_space<vmem>>
      %dma_wait3A_26 = tpu.memref_squeeze %dma_wait3A_25 : memref<1x128xi32, #tpu.memory_space<vmem>> -> memref<128xi32, #tpu.memory_space<vmem>>
      %dma_wait3A_27 = arith.constant 0 : i32
      %dma_wait3A_28 = tpu.memref_slice %arg10[%dma_wait3A_27] : memref<10272xf32, #tpu.memory_space<vmem_shared>> -> memref<10272xf32, #tpu.memory_space<vmem_shared>>
      tpu.wait_indirect_dma semaphore(%arg11 : memref<!tpu.dma_semaphore, #tpu.memory_space<semaphore_mem>>) src(%arg8 : memref<128xf32, #tpu.memory_space<vmem>>) dst(%dma_wait3A_28 : memref<10272xf32, #tpu.memory_space<vmem_shared>>)
    }
    %scan3A_21 = arith.constant 80 : i32
    %barrier3A_22 = arith.constant 0 : index
    tpu.barrier barrier_id(%barrier3A_22)
    "tpu.region"() ({
      %run_scoped3A = tpu.sem_alloc : memref<!tpu.dma_semaphore, #tpu.memory_space<semaphore_mem>>
      %dma_start3A = tpu.memref_slice %arg10[%multiple_of3A] : memref<10272xf32, #tpu.memory_space<vmem_shared>> -> memref<640xf32, #tpu.memory_space<vmem_shared>>
      %dma_start3A_23 = tpu.memref_slice %arg10[%multiple_of3A] : memref<10272xf32, #tpu.memory_space<vmem_shared>> -> memref<640xf32, #tpu.memory_space<vmem_shared>>
      tpu.enqueue_dma source(%dma_start3A_23 : memref<640xf32, #tpu.memory_space<vmem_shared>>) target(%arg9 : memref<640xf32, #tpu.memory_space<vmem>>) target_semaphore(%run_scoped3A : memref<!tpu.dma_semaphore, #tpu.memory_space<semaphore_mem>>)
      %dma_wait3A = tpu.memref_slice %arg10[%multiple_of3A] : memref<10272xf32, #tpu.memory_space<vmem_shared>> -> memref<640xf32, #tpu.memory_space<vmem_shared>>
      %dma_wait3A_24 = tpu.memref_slice %arg10[%multiple_of3A] : memref<10272xf32, #tpu.memory_space<vmem_shared>> -> memref<640xf32, #tpu.memory_space<vmem_shared>>
      tpu.wait_dma2 semaphore(%run_scoped3A : memref<!tpu.dma_semaphore, #tpu.memory_space<semaphore_mem>>) src(%dma_wait3A_24 : memref<640xf32, #tpu.memory_space<vmem_shared>>) dst(%arg9 : memref<640xf32, #tpu.memory_space<vmem>>)
      tpu.yield
    }) : () -> ()
    "tpu.region"() ({
      %run_scoped3A = tpu.sem_alloc : memref<!tpu.dma_semaphore, #tpu.memory_space<semaphore_mem>>
      %dma_start3A = tpu.memref_slice %arg5[%arg0, %multiple_of3A] : memref<2x10240xf32, #tpu.memory_space<hbm>> -> memref<1x640xf32, #tpu.memory_space<hbm>>
      %dma_start3A_23 = tpu.memref_squeeze %dma_start3A : memref<1x640xf32, #tpu.memory_space<hbm>> -> memref<640xf32, #tpu.memory_space<hbm>>
      %dma_start3A_24 = tpu.memref_slice %arg5[%arg0, %multiple_of3A] : memref<2x10240xf32, #tpu.memory_space<hbm>> -> memref<1x640xf32, #tpu.memory_space<hbm>>
      %dma_start3A_25 = tpu.memref_squeeze %dma_start3A_24 : memref<1x640xf32, #tpu.memory_space<hbm>> -> memref<640xf32, #tpu.memory_space<hbm>>
      tpu.enqueue_dma source(%arg9 : memref<640xf32, #tpu.memory_space<vmem>>) target(%dma_start3A_25 : memref<640xf32, #tpu.memory_space<hbm>>) target_semaphore(%run_scoped3A : memref<!tpu.dma_semaphore, #tpu.memory_space<semaphore_mem>>)
      %dma_wait3A = tpu.memref_slice %arg5[%arg0, %multiple_of3A] : memref<2x10240xf32, #tpu.memory_space<hbm>> -> memref<1x640xf32, #tpu.memory_space<hbm>>
      %dma_wait3A_26 = tpu.memref_squeeze %dma_wait3A : memref<1x640xf32, #tpu.memory_space<hbm>> -> memref<640xf32, #tpu.memory_space<hbm>>
      %dma_wait3A_27 = tpu.memref_slice %arg5[%arg0, %multiple_of3A] : memref<2x10240xf32, #tpu.memory_space<hbm>> -> memref<1x640xf32, #tpu.memory_space<hbm>>
      %dma_wait3A_28 = tpu.memref_squeeze %dma_wait3A_27 : memref<1x640xf32, #tpu.memory_space<hbm>> -> memref<640xf32, #tpu.memory_space<hbm>>
      tpu.wait_dma2 semaphore(%run_scoped3A : memref<!tpu.dma_semaphore, #tpu.memory_space<semaphore_mem>>) src(%arg9 : memref<640xf32, #tpu.memory_space<vmem>>) dst(%dma_wait3A_28 : memref<640xf32, #tpu.memory_space<hbm>>)
      tpu.yield
    }) : () -> ()
    return
  }
}

#map = affine_map<(d0, d1) -> (0, 0)>
#map1 = affine_map<(d0, d1) -> (0)>
#map2 = affine_map<(d0, d1) -> (0, 0, 0)>
module attributes {stable_mosaic.version = 14 : i64} {
  func.func @agg_kernel(%arg0: i32, %arg1: i32, %arg2: memref<10240x128xf32, #tpu.memory_space<hbm>>, %arg3: memref<320000xi32, #tpu.memory_space<hbm>>, %arg4: memref<320000xi32, #tpu.memory_space<hbm>>, %arg5: memref<128x128xf32, #tpu.memory_space<hbm>>, %arg6: memref<2x10240x128xf32, #tpu.memory_space<hbm>>, %arg7: memref<80xi32, #tpu.memory_space<vmem>>, %arg8: memref<80xi32, #tpu.memory_space<vmem>>, %arg9: memref<80x128xf32, #tpu.memory_space<vmem>>, %arg10: memref<128x128xf32, #tpu.memory_space<vmem>>, %arg11: memref<10240x128xf32, #tpu.memory_space<vmem_shared>>, %arg12: memref<!tpu.dma_semaphore, #tpu.memory_space<semaphore_mem>>) attributes {dimension_semantics = [#tpu.dimension_semantics<core_parallel>, #tpu.dimension_semantics<subcore_parallel>], iteration_bounds = array<i64: 2, 16>, scalar_prefetch = 0 : i64, scratch_operands = 6 : i64, tpu.core_type = #tpu.core_type<sc_vector_subcore>, window_params = [{transform_indices = #map}, {transform_indices = #map1}, {transform_indices = #map1}, {transform_indices = #map}, {transform_indices = #map2}]} {
    %mul3A = arith.constant 16 : i32
    %mul3A_0 = arith.muli %arg0, %mul3A : i32
    %add3A = arith.addi %mul3A_0, %arg1 : i32
    %mul3A_1 = arith.constant 640 : i32
    %mul3A_2 = arith.muli %arg1, %mul3A_1 : i32
    %multiple_of3A = tpu.assume_multiple %mul3A_2, 8 : i32
    "tpu.region"() ({
      %run_scoped3A = tpu.sem_alloc : memref<!tpu.dma_semaphore, #tpu.memory_space<semaphore_mem>>
      tpu.enqueue_dma source(%arg5 : memref<128x128xf32, #tpu.memory_space<hbm>>) target(%arg10 : memref<128x128xf32, #tpu.memory_space<vmem>>) target_semaphore(%run_scoped3A : memref<!tpu.dma_semaphore, #tpu.memory_space<semaphore_mem>>)
      tpu.wait_dma2 semaphore(%run_scoped3A : memref<!tpu.dma_semaphore, #tpu.memory_space<semaphore_mem>>) src(%arg5 : memref<128x128xf32, #tpu.memory_space<hbm>>) dst(%arg10 : memref<128x128xf32, #tpu.memory_space<vmem>>)
      tpu.yield
    }) : () -> ()
    %add3A_3 = arith.constant 0 : i32
    %add3A_4 = arith.addi %multiple_of3A, %add3A_3 : i32
    "tpu.region"() ({
      %run_scoped3A = tpu.sem_alloc : memref<!tpu.dma_semaphore, #tpu.memory_space<semaphore_mem>>
      %dma_start3A = arith.constant 0 : i32
      %dma_start3A_36 = tpu.memref_slice %arg11[%add3A_4, %dma_start3A] : memref<10240x128xf32, #tpu.memory_space<vmem_shared>> -> memref<128x128xf32, #tpu.memory_space<vmem_shared>>
      %dma_start3A_37 = arith.constant 0 : i32
      %dma_start3A_38 = tpu.memref_slice %arg11[%add3A_4, %dma_start3A_37] : memref<10240x128xf32, #tpu.memory_space<vmem_shared>> -> memref<128x128xf32, #tpu.memory_space<vmem_shared>>
      tpu.enqueue_dma source(%arg10 : memref<128x128xf32, #tpu.memory_space<vmem>>) target(%dma_start3A_38 : memref<128x128xf32, #tpu.memory_space<vmem_shared>>) target_semaphore(%run_scoped3A : memref<!tpu.dma_semaphore, #tpu.memory_space<semaphore_mem>>)
      %dma_wait3A = arith.constant 0 : i32
      %dma_wait3A_39 = tpu.memref_slice %arg11[%add3A_4, %dma_wait3A] : memref<10240x128xf32, #tpu.memory_space<vmem_shared>> -> memref<128x128xf32, #tpu.memory_space<vmem_shared>>
      %dma_wait3A_40 = arith.constant 0 : i32
      %dma_wait3A_41 = tpu.memref_slice %arg11[%add3A_4, %dma_wait3A_40] : memref<10240x128xf32, #tpu.memory_space<vmem_shared>> -> memref<128x128xf32, #tpu.memory_space<vmem_shared>>
      tpu.wait_dma2 semaphore(%run_scoped3A : memref<!tpu.dma_semaphore, #tpu.memory_space<semaphore_mem>>) src(%arg10 : memref<128x128xf32, #tpu.memory_space<vmem>>) dst(%dma_wait3A_41 : memref<128x128xf32, #tpu.memory_space<vmem_shared>>)
      tpu.yield
    }) : () -> ()
    %add3A_5 = arith.constant 128 : i32
    %add3A_6 = arith.addi %multiple_of3A, %add3A_5 : i32
    "tpu.region"() ({
      %run_scoped3A = tpu.sem_alloc : memref<!tpu.dma_semaphore, #tpu.memory_space<semaphore_mem>>
      %dma_start3A = arith.constant 0 : i32
      %dma_start3A_36 = tpu.memref_slice %arg11[%add3A_6, %dma_start3A] : memref<10240x128xf32, #tpu.memory_space<vmem_shared>> -> memref<128x128xf32, #tpu.memory_space<vmem_shared>>
      %dma_start3A_37 = arith.constant 0 : i32
      %dma_start3A_38 = tpu.memref_slice %arg11[%add3A_6, %dma_start3A_37] : memref<10240x128xf32, #tpu.memory_space<vmem_shared>> -> memref<128x128xf32, #tpu.memory_space<vmem_shared>>
      tpu.enqueue_dma source(%arg10 : memref<128x128xf32, #tpu.memory_space<vmem>>) target(%dma_start3A_38 : memref<128x128xf32, #tpu.memory_space<vmem_shared>>) target_semaphore(%run_scoped3A : memref<!tpu.dma_semaphore, #tpu.memory_space<semaphore_mem>>)
      %dma_wait3A = arith.constant 0 : i32
      %dma_wait3A_39 = tpu.memref_slice %arg11[%add3A_6, %dma_wait3A] : memref<10240x128xf32, #tpu.memory_space<vmem_shared>> -> memref<128x128xf32, #tpu.memory_space<vmem_shared>>
      %dma_wait3A_40 = arith.constant 0 : i32
      %dma_wait3A_41 = tpu.memref_slice %arg11[%add3A_6, %dma_wait3A_40] : memref<10240x128xf32, #tpu.memory_space<vmem_shared>> -> memref<128x128xf32, #tpu.memory_space<vmem_shared>>
      tpu.wait_dma2 semaphore(%run_scoped3A : memref<!tpu.dma_semaphore, #tpu.memory_space<semaphore_mem>>) src(%arg10 : memref<128x128xf32, #tpu.memory_space<vmem>>) dst(%dma_wait3A_41 : memref<128x128xf32, #tpu.memory_space<vmem_shared>>)
      tpu.yield
    }) : () -> ()
    %add3A_7 = arith.constant 256 : i32
    %add3A_8 = arith.addi %multiple_of3A, %add3A_7 : i32
    "tpu.region"() ({
      %run_scoped3A = tpu.sem_alloc : memref<!tpu.dma_semaphore, #tpu.memory_space<semaphore_mem>>
      %dma_start3A = arith.constant 0 : i32
      %dma_start3A_36 = tpu.memref_slice %arg11[%add3A_8, %dma_start3A] : memref<10240x128xf32, #tpu.memory_space<vmem_shared>> -> memref<128x128xf32, #tpu.memory_space<vmem_shared>>
      %dma_start3A_37 = arith.constant 0 : i32
      %dma_start3A_38 = tpu.memref_slice %arg11[%add3A_8, %dma_start3A_37] : memref<10240x128xf32, #tpu.memory_space<vmem_shared>> -> memref<128x128xf32, #tpu.memory_space<vmem_shared>>
      tpu.enqueue_dma source(%arg10 : memref<128x128xf32, #tpu.memory_space<vmem>>) target(%dma_start3A_38 : memref<128x128xf32, #tpu.memory_space<vmem_shared>>) target_semaphore(%run_scoped3A : memref<!tpu.dma_semaphore, #tpu.memory_space<semaphore_mem>>)
      %dma_wait3A = arith.constant 0 : i32
      %dma_wait3A_39 = tpu.memref_slice %arg11[%add3A_8, %dma_wait3A] : memref<10240x128xf32, #tpu.memory_space<vmem_shared>> -> memref<128x128xf32, #tpu.memory_space<vmem_shared>>
      %dma_wait3A_40 = arith.constant 0 : i32
      %dma_wait3A_41 = tpu.memref_slice %arg11[%add3A_8, %dma_wait3A_40] : memref<10240x128xf32, #tpu.memory_space<vmem_shared>> -> memref<128x128xf32, #tpu.memory_space<vmem_shared>>
      tpu.wait_dma2 semaphore(%run_scoped3A : memref<!tpu.dma_semaphore, #tpu.memory_space<semaphore_mem>>) src(%arg10 : memref<128x128xf32, #tpu.memory_space<vmem>>) dst(%dma_wait3A_41 : memref<128x128xf32, #tpu.memory_space<vmem_shared>>)
      tpu.yield
    }) : () -> ()
    %add3A_9 = arith.constant 384 : i32
    %add3A_10 = arith.addi %multiple_of3A, %add3A_9 : i32
    "tpu.region"() ({
      %run_scoped3A = tpu.sem_alloc : memref<!tpu.dma_semaphore, #tpu.memory_space<semaphore_mem>>
      %dma_start3A = arith.constant 0 : i32
      %dma_start3A_36 = tpu.memref_slice %arg11[%add3A_10, %dma_start3A] : memref<10240x128xf32, #tpu.memory_space<vmem_shared>> -> memref<128x128xf32, #tpu.memory_space<vmem_shared>>
      %dma_start3A_37 = arith.constant 0 : i32
      %dma_start3A_38 = tpu.memref_slice %arg11[%add3A_10, %dma_start3A_37] : memref<10240x128xf32, #tpu.memory_space<vmem_shared>> -> memref<128x128xf32, #tpu.memory_space<vmem_shared>>
      tpu.enqueue_dma source(%arg10 : memref<128x128xf32, #tpu.memory_space<vmem>>) target(%dma_start3A_38 : memref<128x128xf32, #tpu.memory_space<vmem_shared>>) target_semaphore(%run_scoped3A : memref<!tpu.dma_semaphore, #tpu.memory_space<semaphore_mem>>)
      %dma_wait3A = arith.constant 0 : i32
      %dma_wait3A_39 = tpu.memref_slice %arg11[%add3A_10, %dma_wait3A] : memref<10240x128xf32, #tpu.memory_space<vmem_shared>> -> memref<128x128xf32, #tpu.memory_space<vmem_shared>>
      %dma_wait3A_40 = arith.constant 0 : i32
      %dma_wait3A_41 = tpu.memref_slice %arg11[%add3A_10, %dma_wait3A_40] : memref<10240x128xf32, #tpu.memory_space<vmem_shared>> -> memref<128x128xf32, #tpu.memory_space<vmem_shared>>
      tpu.wait_dma2 semaphore(%run_scoped3A : memref<!tpu.dma_semaphore, #tpu.memory_space<semaphore_mem>>) src(%arg10 : memref<128x128xf32, #tpu.memory_space<vmem>>) dst(%dma_wait3A_41 : memref<128x128xf32, #tpu.memory_space<vmem_shared>>)
      tpu.yield
    }) : () -> ()
    %add3A_11 = arith.constant 512 : i32
    %add3A_12 = arith.addi %multiple_of3A, %add3A_11 : i32
    "tpu.region"() ({
      %run_scoped3A = tpu.sem_alloc : memref<!tpu.dma_semaphore, #tpu.memory_space<semaphore_mem>>
      %dma_start3A = arith.constant 0 : i32
      %dma_start3A_36 = tpu.memref_slice %arg11[%add3A_12, %dma_start3A] : memref<10240x128xf32, #tpu.memory_space<vmem_shared>> -> memref<128x128xf32, #tpu.memory_space<vmem_shared>>
      %dma_start3A_37 = arith.constant 0 : i32
      %dma_start3A_38 = tpu.memref_slice %arg11[%add3A_12, %dma_start3A_37] : memref<10240x128xf32, #tpu.memory_space<vmem_shared>> -> memref<128x128xf32, #tpu.memory_space<vmem_shared>>
      tpu.enqueue_dma source(%arg10 : memref<128x128xf32, #tpu.memory_space<vmem>>) target(%dma_start3A_38 : memref<128x128xf32, #tpu.memory_space<vmem_shared>>) target_semaphore(%run_scoped3A : memref<!tpu.dma_semaphore, #tpu.memory_space<semaphore_mem>>)
      %dma_wait3A = arith.constant 0 : i32
      %dma_wait3A_39 = tpu.memref_slice %arg11[%add3A_12, %dma_wait3A] : memref<10240x128xf32, #tpu.memory_space<vmem_shared>> -> memref<128x128xf32, #tpu.memory_space<vmem_shared>>
      %dma_wait3A_40 = arith.constant 0 : i32
      %dma_wait3A_41 = tpu.memref_slice %arg11[%add3A_12, %dma_wait3A_40] : memref<10240x128xf32, #tpu.memory_space<vmem_shared>> -> memref<128x128xf32, #tpu.memory_space<vmem_shared>>
      tpu.wait_dma2 semaphore(%run_scoped3A : memref<!tpu.dma_semaphore, #tpu.memory_space<semaphore_mem>>) src(%arg10 : memref<128x128xf32, #tpu.memory_space<vmem>>) dst(%dma_wait3A_41 : memref<128x128xf32, #tpu.memory_space<vmem_shared>>)
      tpu.yield
    }) : () -> ()
    %barrier3A = arith.constant 0 : index
    tpu.barrier barrier_id(%barrier3A)
    %mul3A_13 = arith.constant 10000 : i32
    %mul3A_14 = arith.muli %add3A, %mul3A_13 : i32
    %scan3A = arith.constant 0 : i32
    %scan3A_15 = arith.constant 0 : i32
    %scan3A_16 = arith.constant 125 : i32
    %scan3A_17 = arith.addi %scan3A_15, %scan3A_16 : i32
    %scan3A_18 = arith.constant 1 : i32
    scf.for %scan3A_36 = %scan3A_15 to %scan3A_17 step %scan3A_18  : i32 {
      %mul3A_37 = arith.constant 80 : i32
      %mul3A_38 = arith.muli %scan3A_36, %mul3A_37 : i32
      %add3A_39 = arith.addi %mul3A_14, %mul3A_38 : i32
      %multiple_of3A_40 = tpu.assume_multiple %add3A_39, 8 : i32
      "tpu.region"() ({
        %run_scoped3A = tpu.sem_alloc : memref<!tpu.dma_semaphore, #tpu.memory_space<semaphore_mem>>
        %dma_start3A_45 = tpu.memref_slice %arg3[%multiple_of3A_40] : memref<320000xi32, #tpu.memory_space<hbm>> -> memref<80xi32, #tpu.memory_space<hbm>>
        %dma_start3A_46 = tpu.memref_slice %arg3[%multiple_of3A_40] : memref<320000xi32, #tpu.memory_space<hbm>> -> memref<80xi32, #tpu.memory_space<hbm>>
        tpu.enqueue_dma source(%dma_start3A_46 : memref<80xi32, #tpu.memory_space<hbm>>) target(%arg7 : memref<80xi32, #tpu.memory_space<vmem>>) target_semaphore(%run_scoped3A : memref<!tpu.dma_semaphore, #tpu.memory_space<semaphore_mem>>)
        %dma_wait3A_47 = tpu.memref_slice %arg3[%multiple_of3A_40] : memref<320000xi32, #tpu.memory_space<hbm>> -> memref<80xi32, #tpu.memory_space<hbm>>
        %dma_wait3A_48 = tpu.memref_slice %arg3[%multiple_of3A_40] : memref<320000xi32, #tpu.memory_space<hbm>> -> memref<80xi32, #tpu.memory_space<hbm>>
        tpu.wait_dma2 semaphore(%run_scoped3A : memref<!tpu.dma_semaphore, #tpu.memory_space<semaphore_mem>>) src(%dma_wait3A_48 : memref<80xi32, #tpu.memory_space<hbm>>) dst(%arg7 : memref<80xi32, #tpu.memory_space<vmem>>)
        tpu.yield
      }) : () -> ()
      "tpu.region"() ({
        %run_scoped3A = tpu.sem_alloc : memref<!tpu.dma_semaphore, #tpu.memory_space<semaphore_mem>>
        %dma_start3A_45 = tpu.memref_slice %arg4[%multiple_of3A_40] : memref<320000xi32, #tpu.memory_space<hbm>> -> memref<80xi32, #tpu.memory_space<hbm>>
        %dma_start3A_46 = tpu.memref_slice %arg4[%multiple_of3A_40] : memref<320000xi32, #tpu.memory_space<hbm>> -> memref<80xi32, #tpu.memory_space<hbm>>
        tpu.enqueue_dma source(%dma_start3A_46 : memref<80xi32, #tpu.memory_space<hbm>>) target(%arg8 : memref<80xi32, #tpu.memory_space<vmem>>) target_semaphore(%run_scoped3A : memref<!tpu.dma_semaphore, #tpu.memory_space<semaphore_mem>>)
        %dma_wait3A_47 = tpu.memref_slice %arg4[%multiple_of3A_40] : memref<320000xi32, #tpu.memory_space<hbm>> -> memref<80xi32, #tpu.memory_space<hbm>>
        %dma_wait3A_48 = tpu.memref_slice %arg4[%multiple_of3A_40] : memref<320000xi32, #tpu.memory_space<hbm>> -> memref<80xi32, #tpu.memory_space<hbm>>
        tpu.wait_dma2 semaphore(%run_scoped3A : memref<!tpu.dma_semaphore, #tpu.memory_space<semaphore_mem>>) src(%dma_wait3A_48 : memref<80xi32, #tpu.memory_space<hbm>>) dst(%arg8 : memref<80xi32, #tpu.memory_space<vmem>>)
        tpu.yield
      }) : () -> ()
      %dma_start3A = arith.constant 0 : i32
      %dma_start3A_41 = arith.constant 0 : i32
      %dma_start3A_42 = tpu.memref_slice %arg2[%dma_start3A, %dma_start3A_41] : memref<10240x128xf32, #tpu.memory_space<hbm>> -> memref<10240x128xf32, #tpu.memory_space<hbm>>
      tpu.enqueue_indirect_dma source(%dma_start3A_42 : memref<10240x128xf32, #tpu.memory_space<hbm>>) target(%arg9 : memref<80x128xf32, #tpu.memory_space<vmem>>) offsets(%arg7 : memref<80xi32, #tpu.memory_space<vmem>>) semaphore(%arg12 : memref<!tpu.dma_semaphore, #tpu.memory_space<semaphore_mem>>)
      %dma_wait3A = arith.constant 0 : i32
      %dma_wait3A_43 = arith.constant 0 : i32
      %dma_wait3A_44 = tpu.memref_slice %arg2[%dma_wait3A, %dma_wait3A_43] : memref<10240x128xf32, #tpu.memory_space<hbm>> -> memref<10240x128xf32, #tpu.memory_space<hbm>>
      tpu.wait_indirect_dma semaphore(%arg12 : memref<!tpu.dma_semaphore, #tpu.memory_space<semaphore_mem>>) src(%dma_wait3A_44 : memref<10240x128xf32, #tpu.memory_space<hbm>>) dst(%arg9 : memref<80x128xf32, #tpu.memory_space<vmem>>)
      "tpu.region"() ({
        %run_scoped3A = tpu.sem_alloc : memref<!tpu.dma_semaphore, #tpu.memory_space<semaphore_mem>>
        %dma_start3A_45 = arith.constant 0 : i32
        %dma_start3A_46 = arith.constant 0 : i32
        %dma_start3A_47 = tpu.memref_slice %arg11[%dma_start3A_45, %dma_start3A_46] : memref<10240x128xf32, #tpu.memory_space<vmem_shared>> -> memref<10240x128xf32, #tpu.memory_space<vmem_shared>>
        tpu.enqueue_indirect_dma source(%arg9 : memref<80x128xf32, #tpu.memory_space<vmem>>) target(%dma_start3A_47 : memref<10240x128xf32, #tpu.memory_space<vmem_shared>>) offsets(%arg8 : memref<80xi32, #tpu.memory_space<vmem>>) semaphore(%run_scoped3A : memref<!tpu.dma_semaphore, #tpu.memory_space<semaphore_mem>>) {add = true}
        %dma_wait3A_48 = arith.constant 0 : i32
        %dma_wait3A_49 = arith.constant 0 : i32
        %dma_wait3A_50 = tpu.memref_slice %arg11[%dma_wait3A_48, %dma_wait3A_49] : memref<10240x128xf32, #tpu.memory_space<vmem_shared>> -> memref<10240x128xf32, #tpu.memory_space<vmem_shared>>
        tpu.wait_indirect_dma semaphore(%run_scoped3A : memref<!tpu.dma_semaphore, #tpu.memory_space<semaphore_mem>>) src(%arg9 : memref<80x128xf32, #tpu.memory_space<vmem>>) dst(%dma_wait3A_50 : memref<10240x128xf32, #tpu.memory_space<vmem_shared>>)
        tpu.yield
      }) : () -> ()
    }
    %scan3A_19 = arith.constant 125 : i32
    %barrier3A_20 = arith.constant 0 : index
    tpu.barrier barrier_id(%barrier3A_20)
    %add3A_21 = arith.constant 0 : i32
    %add3A_22 = arith.addi %multiple_of3A, %add3A_21 : i32
    %multiple_of3A_23 = tpu.assume_multiple %add3A_22, 8 : i32
    "tpu.region"() ({
      %run_scoped3A = tpu.sem_alloc : memref<!tpu.dma_semaphore, #tpu.memory_space<semaphore_mem>>
      %dma_start3A = arith.constant 0 : i32
      %dma_start3A_36 = tpu.memref_slice %arg11[%multiple_of3A_23, %dma_start3A] : memref<10240x128xf32, #tpu.memory_space<vmem_shared>> -> memref<128x128xf32, #tpu.memory_space<vmem_shared>>
      %dma_start3A_37 = arith.constant 0 : i32
      %dma_start3A_38 = tpu.memref_slice %arg11[%multiple_of3A_23, %dma_start3A_37] : memref<10240x128xf32, #tpu.memory_space<vmem_shared>> -> memref<128x128xf32, #tpu.memory_space<vmem_shared>>
      tpu.enqueue_dma source(%dma_start3A_38 : memref<128x128xf32, #tpu.memory_space<vmem_shared>>) target(%arg10 : memref<128x128xf32, #tpu.memory_space<vmem>>) target_semaphore(%run_scoped3A : memref<!tpu.dma_semaphore, #tpu.memory_space<semaphore_mem>>)
      %dma_wait3A = arith.constant 0 : i32
      %dma_wait3A_39 = tpu.memref_slice %arg11[%multiple_of3A_23, %dma_wait3A] : memref<10240x128xf32, #tpu.memory_space<vmem_shared>> -> memref<128x128xf32, #tpu.memory_space<vmem_shared>>
      %dma_wait3A_40 = arith.constant 0 : i32
      %dma_wait3A_41 = tpu.memref_slice %arg11[%multiple_of3A_23, %dma_wait3A_40] : memref<10240x128xf32, #tpu.memory_space<vmem_shared>> -> memref<128x128xf32, #tpu.memory_space<vmem_shared>>
      tpu.wait_dma2 semaphore(%run_scoped3A : memref<!tpu.dma_semaphore, #tpu.memory_space<semaphore_mem>>) src(%dma_wait3A_41 : memref<128x128xf32, #tpu.memory_space<vmem_shared>>) dst(%arg10 : memref<128x128xf32, #tpu.memory_space<vmem>>)
      tpu.yield
    }) : () -> ()
    "tpu.region"() ({
      %run_scoped3A = tpu.sem_alloc : memref<!tpu.dma_semaphore, #tpu.memory_space<semaphore_mem>>
      %dma_start3A = arith.constant 0 : i32
      %dma_start3A_36 = tpu.memref_slice %arg6[%arg0, %multiple_of3A_23, %dma_start3A] : memref<2x10240x128xf32, #tpu.memory_space<hbm>> -> memref<1x128x128xf32, #tpu.memory_space<hbm>>
      %dma_start3A_37 = tpu.memref_squeeze %dma_start3A_36 : memref<1x128x128xf32, #tpu.memory_space<hbm>> -> memref<128x128xf32, #tpu.memory_space<hbm>>
      %dma_start3A_38 = arith.constant 0 : i32
      %dma_start3A_39 = tpu.memref_slice %arg6[%arg0, %multiple_of3A_23, %dma_start3A_38] : memref<2x10240x128xf32, #tpu.memory_space<hbm>> -> memref<1x128x128xf32, #tpu.memory_space<hbm>>
      %dma_start3A_40 = tpu.memref_squeeze %dma_start3A_39 : memref<1x128x128xf32, #tpu.memory_space<hbm>> -> memref<128x128xf32, #tpu.memory_space<hbm>>
      tpu.enqueue_dma source(%arg10 : memref<128x128xf32, #tpu.memory_space<vmem>>) target(%dma_start3A_40 : memref<128x128xf32, #tpu.memory_space<hbm>>) target_semaphore(%run_scoped3A : memref<!tpu.dma_semaphore, #tpu.memory_space<semaphore_mem>>)
      %dma_wait3A = arith.constant 0 : i32
      %dma_wait3A_41 = tpu.memref_slice %arg6[%arg0, %multiple_of3A_23, %dma_wait3A] : memref<2x10240x128xf32, #tpu.memory_space<hbm>> -> memref<1x128x128xf32, #tpu.memory_space<hbm>>
      %dma_wait3A_42 = tpu.memref_squeeze %dma_wait3A_41 : memref<1x128x128xf32, #tpu.memory_space<hbm>> -> memref<128x128xf32, #tpu.memory_space<hbm>>
      %dma_wait3A_43 = arith.constant 0 : i32
      %dma_wait3A_44 = tpu.memref_slice %arg6[%arg0, %multiple_of3A_23, %dma_wait3A_43] : memref<2x10240x128xf32, #tpu.memory_space<hbm>> -> memref<1x128x128xf32, #tpu.memory_space<hbm>>
      %dma_wait3A_45 = tpu.memref_squeeze %dma_wait3A_44 : memref<1x128x128xf32, #tpu.memory_space<hbm>> -> memref<128x128xf32, #tpu.memory_space<hbm>>
      tpu.wait_dma2 semaphore(%run_scoped3A : memref<!tpu.dma_semaphore, #tpu.memory_space<semaphore_mem>>) src(%arg10 : memref<128x128xf32, #tpu.memory_space<vmem>>) dst(%dma_wait3A_45 : memref<128x128xf32, #tpu.memory_space<hbm>>)
      tpu.yield
    }) : () -> ()
    %add3A_24 = arith.constant 128 : i32
    %add3A_25 = arith.addi %multiple_of3A, %add3A_24 : i32
    %multiple_of3A_26 = tpu.assume_multiple %add3A_25, 8 : i32
    "tpu.region"() ({
      %run_scoped3A = tpu.sem_alloc : memref<!tpu.dma_semaphore, #tpu.memory_space<semaphore_mem>>
      %dma_start3A = arith.constant 0 : i32
      %dma_start3A_36 = tpu.memref_slice %arg11[%multiple_of3A_26, %dma_start3A] : memref<10240x128xf32, #tpu.memory_space<vmem_shared>> -> memref<128x128xf32, #tpu.memory_space<vmem_shared>>
      %dma_start3A_37 = arith.constant 0 : i32
      %dma_start3A_38 = tpu.memref_slice %arg11[%multiple_of3A_26, %dma_start3A_37] : memref<10240x128xf32, #tpu.memory_space<vmem_shared>> -> memref<128x128xf32, #tpu.memory_space<vmem_shared>>
      tpu.enqueue_dma source(%dma_start3A_38 : memref<128x128xf32, #tpu.memory_space<vmem_shared>>) target(%arg10 : memref<128x128xf32, #tpu.memory_space<vmem>>) target_semaphore(%run_scoped3A : memref<!tpu.dma_semaphore, #tpu.memory_space<semaphore_mem>>)
      %dma_wait3A = arith.constant 0 : i32
      %dma_wait3A_39 = tpu.memref_slice %arg11[%multiple_of3A_26, %dma_wait3A] : memref<10240x128xf32, #tpu.memory_space<vmem_shared>> -> memref<128x128xf32, #tpu.memory_space<vmem_shared>>
      %dma_wait3A_40 = arith.constant 0 : i32
      %dma_wait3A_41 = tpu.memref_slice %arg11[%multiple_of3A_26, %dma_wait3A_40] : memref<10240x128xf32, #tpu.memory_space<vmem_shared>> -> memref<128x128xf32, #tpu.memory_space<vmem_shared>>
      tpu.wait_dma2 semaphore(%run_scoped3A : memref<!tpu.dma_semaphore, #tpu.memory_space<semaphore_mem>>) src(%dma_wait3A_41 : memref<128x128xf32, #tpu.memory_space<vmem_shared>>) dst(%arg10 : memref<128x128xf32, #tpu.memory_space<vmem>>)
      tpu.yield
    }) : () -> ()
    "tpu.region"() ({
      %run_scoped3A = tpu.sem_alloc : memref<!tpu.dma_semaphore, #tpu.memory_space<semaphore_mem>>
      %dma_start3A = arith.constant 0 : i32
      %dma_start3A_36 = tpu.memref_slice %arg6[%arg0, %multiple_of3A_26, %dma_start3A] : memref<2x10240x128xf32, #tpu.memory_space<hbm>> -> memref<1x128x128xf32, #tpu.memory_space<hbm>>
      %dma_start3A_37 = tpu.memref_squeeze %dma_start3A_36 : memref<1x128x128xf32, #tpu.memory_space<hbm>> -> memref<128x128xf32, #tpu.memory_space<hbm>>
      %dma_start3A_38 = arith.constant 0 : i32
      %dma_start3A_39 = tpu.memref_slice %arg6[%arg0, %multiple_of3A_26, %dma_start3A_38] : memref<2x10240x128xf32, #tpu.memory_space<hbm>> -> memref<1x128x128xf32, #tpu.memory_space<hbm>>
      %dma_start3A_40 = tpu.memref_squeeze %dma_start3A_39 : memref<1x128x128xf32, #tpu.memory_space<hbm>> -> memref<128x128xf32, #tpu.memory_space<hbm>>
      tpu.enqueue_dma source(%arg10 : memref<128x128xf32, #tpu.memory_space<vmem>>) target(%dma_start3A_40 : memref<128x128xf32, #tpu.memory_space<hbm>>) target_semaphore(%run_scoped3A : memref<!tpu.dma_semaphore, #tpu.memory_space<semaphore_mem>>)
      %dma_wait3A = arith.constant 0 : i32
      %dma_wait3A_41 = tpu.memref_slice %arg6[%arg0, %multiple_of3A_26, %dma_wait3A] : memref<2x10240x128xf32, #tpu.memory_space<hbm>> -> memref<1x128x128xf32, #tpu.memory_space<hbm>>
      %dma_wait3A_42 = tpu.memref_squeeze %dma_wait3A_41 : memref<1x128x128xf32, #tpu.memory_space<hbm>> -> memref<128x128xf32, #tpu.memory_space<hbm>>
      %dma_wait3A_43 = arith.constant 0 : i32
      %dma_wait3A_44 = tpu.memref_slice %arg6[%arg0, %multiple_of3A_26, %dma_wait3A_43] : memref<2x10240x128xf32, #tpu.memory_space<hbm>> -> memref<1x128x128xf32, #tpu.memory_space<hbm>>
      %dma_wait3A_45 = tpu.memref_squeeze %dma_wait3A_44 : memref<1x128x128xf32, #tpu.memory_space<hbm>> -> memref<128x128xf32, #tpu.memory_space<hbm>>
      tpu.wait_dma2 semaphore(%run_scoped3A : memref<!tpu.dma_semaphore, #tpu.memory_space<semaphore_mem>>) src(%arg10 : memref<128x128xf32, #tpu.memory_space<vmem>>) dst(%dma_wait3A_45 : memref<128x128xf32, #tpu.memory_space<hbm>>)
      tpu.yield
    }) : () -> ()
    %add3A_27 = arith.constant 256 : i32
    %add3A_28 = arith.addi %multiple_of3A, %add3A_27 : i32
    %multiple_of3A_29 = tpu.assume_multiple %add3A_28, 8 : i32
    "tpu.region"() ({
      %run_scoped3A = tpu.sem_alloc : memref<!tpu.dma_semaphore, #tpu.memory_space<semaphore_mem>>
      %dma_start3A = arith.constant 0 : i32
      %dma_start3A_36 = tpu.memref_slice %arg11[%multiple_of3A_29, %dma_start3A] : memref<10240x128xf32, #tpu.memory_space<vmem_shared>> -> memref<128x128xf32, #tpu.memory_space<vmem_shared>>
      %dma_start3A_37 = arith.constant 0 : i32
      %dma_start3A_38 = tpu.memref_slice %arg11[%multiple_of3A_29, %dma_start3A_37] : memref<10240x128xf32, #tpu.memory_space<vmem_shared>> -> memref<128x128xf32, #tpu.memory_space<vmem_shared>>
      tpu.enqueue_dma source(%dma_start3A_38 : memref<128x128xf32, #tpu.memory_space<vmem_shared>>) target(%arg10 : memref<128x128xf32, #tpu.memory_space<vmem>>) target_semaphore(%run_scoped3A : memref<!tpu.dma_semaphore, #tpu.memory_space<semaphore_mem>>)
      %dma_wait3A = arith.constant 0 : i32
      %dma_wait3A_39 = tpu.memref_slice %arg11[%multiple_of3A_29, %dma_wait3A] : memref<10240x128xf32, #tpu.memory_space<vmem_shared>> -> memref<128x128xf32, #tpu.memory_space<vmem_shared>>
      %dma_wait3A_40 = arith.constant 0 : i32
      %dma_wait3A_41 = tpu.memref_slice %arg11[%multiple_of3A_29, %dma_wait3A_40] : memref<10240x128xf32, #tpu.memory_space<vmem_shared>> -> memref<128x128xf32, #tpu.memory_space<vmem_shared>>
      tpu.wait_dma2 semaphore(%run_scoped3A : memref<!tpu.dma_semaphore, #tpu.memory_space<semaphore_mem>>) src(%dma_wait3A_41 : memref<128x128xf32, #tpu.memory_space<vmem_shared>>) dst(%arg10 : memref<128x128xf32, #tpu.memory_space<vmem>>)
      tpu.yield
    }) : () -> ()
    "tpu.region"() ({
      %run_scoped3A = tpu.sem_alloc : memref<!tpu.dma_semaphore, #tpu.memory_space<semaphore_mem>>
      %dma_start3A = arith.constant 0 : i32
      %dma_start3A_36 = tpu.memref_slice %arg6[%arg0, %multiple_of3A_29, %dma_start3A] : memref<2x10240x128xf32, #tpu.memory_space<hbm>> -> memref<1x128x128xf32, #tpu.memory_space<hbm>>
      %dma_start3A_37 = tpu.memref_squeeze %dma_start3A_36 : memref<1x128x128xf32, #tpu.memory_space<hbm>> -> memref<128x128xf32, #tpu.memory_space<hbm>>
      %dma_start3A_38 = arith.constant 0 : i32
      %dma_start3A_39 = tpu.memref_slice %arg6[%arg0, %multiple_of3A_29, %dma_start3A_38] : memref<2x10240x128xf32, #tpu.memory_space<hbm>> -> memref<1x128x128xf32, #tpu.memory_space<hbm>>
      %dma_start3A_40 = tpu.memref_squeeze %dma_start3A_39 : memref<1x128x128xf32, #tpu.memory_space<hbm>> -> memref<128x128xf32, #tpu.memory_space<hbm>>
      tpu.enqueue_dma source(%arg10 : memref<128x128xf32, #tpu.memory_space<vmem>>) target(%dma_start3A_40 : memref<128x128xf32, #tpu.memory_space<hbm>>) target_semaphore(%run_scoped3A : memref<!tpu.dma_semaphore, #tpu.memory_space<semaphore_mem>>)
      %dma_wait3A = arith.constant 0 : i32
      %dma_wait3A_41 = tpu.memref_slice %arg6[%arg0, %multiple_of3A_29, %dma_wait3A] : memref<2x10240x128xf32, #tpu.memory_space<hbm>> -> memref<1x128x128xf32, #tpu.memory_space<hbm>>
      %dma_wait3A_42 = tpu.memref_squeeze %dma_wait3A_41 : memref<1x128x128xf32, #tpu.memory_space<hbm>> -> memref<128x128xf32, #tpu.memory_space<hbm>>
      %dma_wait3A_43 = arith.constant 0 : i32
      %dma_wait3A_44 = tpu.memref_slice %arg6[%arg0, %multiple_of3A_29, %dma_wait3A_43] : memref<2x10240x128xf32, #tpu.memory_space<hbm>> -> memref<1x128x128xf32, #tpu.memory_space<hbm>>
      %dma_wait3A_45 = tpu.memref_squeeze %dma_wait3A_44 : memref<1x128x128xf32, #tpu.memory_space<hbm>> -> memref<128x128xf32, #tpu.memory_space<hbm>>
      tpu.wait_dma2 semaphore(%run_scoped3A : memref<!tpu.dma_semaphore, #tpu.memory_space<semaphore_mem>>) src(%arg10 : memref<128x128xf32, #tpu.memory_space<vmem>>) dst(%dma_wait3A_45 : memref<128x128xf32, #tpu.memory_space<hbm>>)
      tpu.yield
    }) : () -> ()
    %add3A_30 = arith.constant 384 : i32
    %add3A_31 = arith.addi %multiple_of3A, %add3A_30 : i32
    %multiple_of3A_32 = tpu.assume_multiple %add3A_31, 8 : i32
    "tpu.region"() ({
      %run_scoped3A = tpu.sem_alloc : memref<!tpu.dma_semaphore, #tpu.memory_space<semaphore_mem>>
      %dma_start3A = arith.constant 0 : i32
      %dma_start3A_36 = tpu.memref_slice %arg11[%multiple_of3A_32, %dma_start3A] : memref<10240x128xf32, #tpu.memory_space<vmem_shared>> -> memref<128x128xf32, #tpu.memory_space<vmem_shared>>
      %dma_start3A_37 = arith.constant 0 : i32
      %dma_start3A_38 = tpu.memref_slice %arg11[%multiple_of3A_32, %dma_start3A_37] : memref<10240x128xf32, #tpu.memory_space<vmem_shared>> -> memref<128x128xf32, #tpu.memory_space<vmem_shared>>
      tpu.enqueue_dma source(%dma_start3A_38 : memref<128x128xf32, #tpu.memory_space<vmem_shared>>) target(%arg10 : memref<128x128xf32, #tpu.memory_space<vmem>>) target_semaphore(%run_scoped3A : memref<!tpu.dma_semaphore, #tpu.memory_space<semaphore_mem>>)
      %dma_wait3A = arith.constant 0 : i32
      %dma_wait3A_39 = tpu.memref_slice %arg11[%multiple_of3A_32, %dma_wait3A] : memref<10240x128xf32, #tpu.memory_space<vmem_shared>> -> memref<128x128xf32, #tpu.memory_space<vmem_shared>>
      %dma_wait3A_40 = arith.constant 0 : i32
      %dma_wait3A_41 = tpu.memref_slice %arg11[%multiple_of3A_32, %dma_wait3A_40] : memref<10240x128xf32, #tpu.memory_space<vmem_shared>> -> memref<128x128xf32, #tpu.memory_space<vmem_shared>>
      tpu.wait_dma2 semaphore(%run_scoped3A : memref<!tpu.dma_semaphore, #tpu.memory_space<semaphore_mem>>) src(%dma_wait3A_41 : memref<128x128xf32, #tpu.memory_space<vmem_shared>>) dst(%arg10 : memref<128x128xf32, #tpu.memory_space<vmem>>)
      tpu.yield
    }) : () -> ()
    "tpu.region"() ({
      %run_scoped3A = tpu.sem_alloc : memref<!tpu.dma_semaphore, #tpu.memory_space<semaphore_mem>>
      %dma_start3A = arith.constant 0 : i32
      %dma_start3A_36 = tpu.memref_slice %arg6[%arg0, %multiple_of3A_32, %dma_start3A] : memref<2x10240x128xf32, #tpu.memory_space<hbm>> -> memref<1x128x128xf32, #tpu.memory_space<hbm>>
      %dma_start3A_37 = tpu.memref_squeeze %dma_start3A_36 : memref<1x128x128xf32, #tpu.memory_space<hbm>> -> memref<128x128xf32, #tpu.memory_space<hbm>>
      %dma_start3A_38 = arith.constant 0 : i32
      %dma_start3A_39 = tpu.memref_slice %arg6[%arg0, %multiple_of3A_32, %dma_start3A_38] : memref<2x10240x128xf32, #tpu.memory_space<hbm>> -> memref<1x128x128xf32, #tpu.memory_space<hbm>>
      %dma_start3A_40 = tpu.memref_squeeze %dma_start3A_39 : memref<1x128x128xf32, #tpu.memory_space<hbm>> -> memref<128x128xf32, #tpu.memory_space<hbm>>
      tpu.enqueue_dma source(%arg10 : memref<128x128xf32, #tpu.memory_space<vmem>>) target(%dma_start3A_40 : memref<128x128xf32, #tpu.memory_space<hbm>>) target_semaphore(%run_scoped3A : memref<!tpu.dma_semaphore, #tpu.memory_space<semaphore_mem>>)
      %dma_wait3A = arith.constant 0 : i32
      %dma_wait3A_41 = tpu.memref_slice %arg6[%arg0, %multiple_of3A_32, %dma_wait3A] : memref<2x10240x128xf32, #tpu.memory_space<hbm>> -> memref<1x128x128xf32, #tpu.memory_space<hbm>>
      %dma_wait3A_42 = tpu.memref_squeeze %dma_wait3A_41 : memref<1x128x128xf32, #tpu.memory_space<hbm>> -> memref<128x128xf32, #tpu.memory_space<hbm>>
      %dma_wait3A_43 = arith.constant 0 : i32
      %dma_wait3A_44 = tpu.memref_slice %arg6[%arg0, %multiple_of3A_32, %dma_wait3A_43] : memref<2x10240x128xf32, #tpu.memory_space<hbm>> -> memref<1x128x128xf32, #tpu.memory_space<hbm>>
      %dma_wait3A_45 = tpu.memref_squeeze %dma_wait3A_44 : memref<1x128x128xf32, #tpu.memory_space<hbm>> -> memref<128x128xf32, #tpu.memory_space<hbm>>
      tpu.wait_dma2 semaphore(%run_scoped3A : memref<!tpu.dma_semaphore, #tpu.memory_space<semaphore_mem>>) src(%arg10 : memref<128x128xf32, #tpu.memory_space<vmem>>) dst(%dma_wait3A_45 : memref<128x128xf32, #tpu.memory_space<hbm>>)
      tpu.yield
    }) : () -> ()
    %add3A_33 = arith.constant 512 : i32
    %add3A_34 = arith.addi %multiple_of3A, %add3A_33 : i32
    %multiple_of3A_35 = tpu.assume_multiple %add3A_34, 8 : i32
    "tpu.region"() ({
      %run_scoped3A = tpu.sem_alloc : memref<!tpu.dma_semaphore, #tpu.memory_space<semaphore_mem>>
      %dma_start3A = arith.constant 0 : i32
      %dma_start3A_36 = tpu.memref_slice %arg11[%multiple_of3A_35, %dma_start3A] : memref<10240x128xf32, #tpu.memory_space<vmem_shared>> -> memref<128x128xf32, #tpu.memory_space<vmem_shared>>
      %dma_start3A_37 = arith.constant 0 : i32
      %dma_start3A_38 = tpu.memref_slice %arg11[%multiple_of3A_35, %dma_start3A_37] : memref<10240x128xf32, #tpu.memory_space<vmem_shared>> -> memref<128x128xf32, #tpu.memory_space<vmem_shared>>
      tpu.enqueue_dma source(%dma_start3A_38 : memref<128x128xf32, #tpu.memory_space<vmem_shared>>) target(%arg10 : memref<128x128xf32, #tpu.memory_space<vmem>>) target_semaphore(%run_scoped3A : memref<!tpu.dma_semaphore, #tpu.memory_space<semaphore_mem>>)
      %dma_wait3A = arith.constant 0 : i32
      %dma_wait3A_39 = tpu.memref_slice %arg11[%multiple_of3A_35, %dma_wait3A] : memref<10240x128xf32, #tpu.memory_space<vmem_shared>> -> memref<128x128xf32, #tpu.memory_space<vmem_shared>>
      %dma_wait3A_40 = arith.constant 0 : i32
      %dma_wait3A_41 = tpu.memref_slice %arg11[%multiple_of3A_35, %dma_wait3A_40] : memref<10240x128xf32, #tpu.memory_space<vmem_shared>> -> memref<128x128xf32, #tpu.memory_space<vmem_shared>>
      tpu.wait_dma2 semaphore(%run_scoped3A : memref<!tpu.dma_semaphore, #tpu.memory_space<semaphore_mem>>) src(%dma_wait3A_41 : memref<128x128xf32, #tpu.memory_space<vmem_shared>>) dst(%arg10 : memref<128x128xf32, #tpu.memory_space<vmem>>)
      tpu.yield
    }) : () -> ()
    "tpu.region"() ({
      %run_scoped3A = tpu.sem_alloc : memref<!tpu.dma_semaphore, #tpu.memory_space<semaphore_mem>>
      %dma_start3A = arith.constant 0 : i32
      %dma_start3A_36 = tpu.memref_slice %arg6[%arg0, %multiple_of3A_35, %dma_start3A] : memref<2x10240x128xf32, #tpu.memory_space<hbm>> -> memref<1x128x128xf32, #tpu.memory_space<hbm>>
      %dma_start3A_37 = tpu.memref_squeeze %dma_start3A_36 : memref<1x128x128xf32, #tpu.memory_space<hbm>> -> memref<128x128xf32, #tpu.memory_space<hbm>>
      %dma_start3A_38 = arith.constant 0 : i32
      %dma_start3A_39 = tpu.memref_slice %arg6[%arg0, %multiple_of3A_35, %dma_start3A_38] : memref<2x10240x128xf32, #tpu.memory_space<hbm>> -> memref<1x128x128xf32, #tpu.memory_space<hbm>>
      %dma_start3A_40 = tpu.memref_squeeze %dma_start3A_39 : memref<1x128x128xf32, #tpu.memory_space<hbm>> -> memref<128x128xf32, #tpu.memory_space<hbm>>
      tpu.enqueue_dma source(%arg10 : memref<128x128xf32, #tpu.memory_space<vmem>>) target(%dma_start3A_40 : memref<128x128xf32, #tpu.memory_space<hbm>>) target_semaphore(%run_scoped3A : memref<!tpu.dma_semaphore, #tpu.memory_space<semaphore_mem>>)
      %dma_wait3A = arith.constant 0 : i32
      %dma_wait3A_41 = tpu.memref_slice %arg6[%arg0, %multiple_of3A_35, %dma_wait3A] : memref<2x10240x128xf32, #tpu.memory_space<hbm>> -> memref<1x128x128xf32, #tpu.memory_space<hbm>>
      %dma_wait3A_42 = tpu.memref_squeeze %dma_wait3A_41 : memref<1x128x128xf32, #tpu.memory_space<hbm>> -> memref<128x128xf32, #tpu.memory_space<hbm>>
      %dma_wait3A_43 = arith.constant 0 : i32
      %dma_wait3A_44 = tpu.memref_slice %arg6[%arg0, %multiple_of3A_35, %dma_wait3A_43] : memref<2x10240x128xf32, #tpu.memory_space<hbm>> -> memref<1x128x128xf32, #tpu.memory_space<hbm>>
      %dma_wait3A_45 = tpu.memref_squeeze %dma_wait3A_44 : memref<1x128x128xf32, #tpu.memory_space<hbm>> -> memref<128x128xf32, #tpu.memory_space<hbm>>
      tpu.wait_dma2 semaphore(%run_scoped3A : memref<!tpu.dma_semaphore, #tpu.memory_space<semaphore_mem>>) src(%arg10 : memref<128x128xf32, #tpu.memory_space<vmem>>) dst(%dma_wait3A_45 : memref<128x128xf32, #tpu.memory_space<hbm>>)
      tpu.yield
    }) : () -> ()
    return
  }
}

#map = affine_map<(d0, d1) -> (0, 0)>
#map1 = affine_map<(d0, d1) -> (0)>
#map2 = affine_map<(d0, d1) -> (0, 0, 0)>
module attributes {stable_mosaic.version = 14 : i64} {
  func.func @agg_kernel(%arg0: i32, %arg1: i32, %arg2: memref<10240x128xf32, #tpu.memory_space<hbm>>, %arg3: memref<320000xi32, #tpu.memory_space<hbm>>, %arg4: memref<320000xi32, #tpu.memory_space<hbm>>, %arg5: memref<128x128xf32, #tpu.memory_space<hbm>>, %arg6: memref<2x10240x128xf32, #tpu.memory_space<hbm>>, %arg7: memref<80xi32, #tpu.memory_space<vmem>>, %arg8: memref<80xi32, #tpu.memory_space<vmem>>, %arg9: memref<80x128xf32, #tpu.memory_space<vmem>>, %arg10: memref<128x128xf32, #tpu.memory_space<vmem>>, %arg11: memref<10240x128xf32, #tpu.memory_space<vmem_shared>>, %arg12: memref<!tpu.dma_semaphore, #tpu.memory_space<semaphore_mem>>) attributes {dimension_semantics = [#tpu.dimension_semantics<core_parallel>, #tpu.dimension_semantics<subcore_parallel>], iteration_bounds = array<i64: 2, 16>, scalar_prefetch = 0 : i64, scratch_operands = 6 : i64, tpu.core_type = #tpu.core_type<sc_vector_subcore>, window_params = [{transform_indices = #map}, {transform_indices = #map1}, {transform_indices = #map1}, {transform_indices = #map}, {transform_indices = #map2}]} {
    %mul3A = arith.constant 16 : i32
    %mul3A_0 = arith.muli %arg0, %mul3A : i32
    %add3A = arith.addi %mul3A_0, %arg1 : i32
    %mul3A_1 = arith.constant 640 : i32
    %mul3A_2 = arith.muli %arg1, %mul3A_1 : i32
    %multiple_of3A = tpu.assume_multiple %mul3A_2, 8 : i32
    "tpu.region"() ({
      %run_scoped3A = tpu.sem_alloc : memref<!tpu.dma_semaphore, #tpu.memory_space<semaphore_mem>>
      tpu.enqueue_dma source(%arg5 : memref<128x128xf32, #tpu.memory_space<hbm>>) target(%arg10 : memref<128x128xf32, #tpu.memory_space<vmem>>) target_semaphore(%run_scoped3A : memref<!tpu.dma_semaphore, #tpu.memory_space<semaphore_mem>>)
      tpu.wait_dma2 semaphore(%run_scoped3A : memref<!tpu.dma_semaphore, #tpu.memory_space<semaphore_mem>>) src(%arg5 : memref<128x128xf32, #tpu.memory_space<hbm>>) dst(%arg10 : memref<128x128xf32, #tpu.memory_space<vmem>>)
      tpu.yield
    }) : () -> ()
    %add3A_3 = arith.constant 0 : i32
    %add3A_4 = arith.addi %multiple_of3A, %add3A_3 : i32
    "tpu.region"() ({
      %run_scoped3A = tpu.sem_alloc : memref<!tpu.dma_semaphore, #tpu.memory_space<semaphore_mem>>
      %dma_start3A = arith.constant 0 : i32
      %dma_start3A_36 = tpu.memref_slice %arg11[%add3A_4, %dma_start3A] : memref<10240x128xf32, #tpu.memory_space<vmem_shared>> -> memref<128x128xf32, #tpu.memory_space<vmem_shared>>
      %dma_start3A_37 = arith.constant 0 : i32
      %dma_start3A_38 = tpu.memref_slice %arg11[%add3A_4, %dma_start3A_37] : memref<10240x128xf32, #tpu.memory_space<vmem_shared>> -> memref<128x128xf32, #tpu.memory_space<vmem_shared>>
      tpu.enqueue_dma source(%arg10 : memref<128x128xf32, #tpu.memory_space<vmem>>) target(%dma_start3A_38 : memref<128x128xf32, #tpu.memory_space<vmem_shared>>) target_semaphore(%run_scoped3A : memref<!tpu.dma_semaphore, #tpu.memory_space<semaphore_mem>>)
      %dma_wait3A = arith.constant 0 : i32
      %dma_wait3A_39 = tpu.memref_slice %arg11[%add3A_4, %dma_wait3A] : memref<10240x128xf32, #tpu.memory_space<vmem_shared>> -> memref<128x128xf32, #tpu.memory_space<vmem_shared>>
      %dma_wait3A_40 = arith.constant 0 : i32
      %dma_wait3A_41 = tpu.memref_slice %arg11[%add3A_4, %dma_wait3A_40] : memref<10240x128xf32, #tpu.memory_space<vmem_shared>> -> memref<128x128xf32, #tpu.memory_space<vmem_shared>>
      tpu.wait_dma2 semaphore(%run_scoped3A : memref<!tpu.dma_semaphore, #tpu.memory_space<semaphore_mem>>) src(%arg10 : memref<128x128xf32, #tpu.memory_space<vmem>>) dst(%dma_wait3A_41 : memref<128x128xf32, #tpu.memory_space<vmem_shared>>)
      tpu.yield
    }) : () -> ()
    %add3A_5 = arith.constant 128 : i32
    %add3A_6 = arith.addi %multiple_of3A, %add3A_5 : i32
    "tpu.region"() ({
      %run_scoped3A = tpu.sem_alloc : memref<!tpu.dma_semaphore, #tpu.memory_space<semaphore_mem>>
      %dma_start3A = arith.constant 0 : i32
      %dma_start3A_36 = tpu.memref_slice %arg11[%add3A_6, %dma_start3A] : memref<10240x128xf32, #tpu.memory_space<vmem_shared>> -> memref<128x128xf32, #tpu.memory_space<vmem_shared>>
      %dma_start3A_37 = arith.constant 0 : i32
      %dma_start3A_38 = tpu.memref_slice %arg11[%add3A_6, %dma_start3A_37] : memref<10240x128xf32, #tpu.memory_space<vmem_shared>> -> memref<128x128xf32, #tpu.memory_space<vmem_shared>>
      tpu.enqueue_dma source(%arg10 : memref<128x128xf32, #tpu.memory_space<vmem>>) target(%dma_start3A_38 : memref<128x128xf32, #tpu.memory_space<vmem_shared>>) target_semaphore(%run_scoped3A : memref<!tpu.dma_semaphore, #tpu.memory_space<semaphore_mem>>)
      %dma_wait3A = arith.constant 0 : i32
      %dma_wait3A_39 = tpu.memref_slice %arg11[%add3A_6, %dma_wait3A] : memref<10240x128xf32, #tpu.memory_space<vmem_shared>> -> memref<128x128xf32, #tpu.memory_space<vmem_shared>>
      %dma_wait3A_40 = arith.constant 0 : i32
      %dma_wait3A_41 = tpu.memref_slice %arg11[%add3A_6, %dma_wait3A_40] : memref<10240x128xf32, #tpu.memory_space<vmem_shared>> -> memref<128x128xf32, #tpu.memory_space<vmem_shared>>
      tpu.wait_dma2 semaphore(%run_scoped3A : memref<!tpu.dma_semaphore, #tpu.memory_space<semaphore_mem>>) src(%arg10 : memref<128x128xf32, #tpu.memory_space<vmem>>) dst(%dma_wait3A_41 : memref<128x128xf32, #tpu.memory_space<vmem_shared>>)
      tpu.yield
    }) : () -> ()
    %add3A_7 = arith.constant 256 : i32
    %add3A_8 = arith.addi %multiple_of3A, %add3A_7 : i32
    "tpu.region"() ({
      %run_scoped3A = tpu.sem_alloc : memref<!tpu.dma_semaphore, #tpu.memory_space<semaphore_mem>>
      %dma_start3A = arith.constant 0 : i32
      %dma_start3A_36 = tpu.memref_slice %arg11[%add3A_8, %dma_start3A] : memref<10240x128xf32, #tpu.memory_space<vmem_shared>> -> memref<128x128xf32, #tpu.memory_space<vmem_shared>>
      %dma_start3A_37 = arith.constant 0 : i32
      %dma_start3A_38 = tpu.memref_slice %arg11[%add3A_8, %dma_start3A_37] : memref<10240x128xf32, #tpu.memory_space<vmem_shared>> -> memref<128x128xf32, #tpu.memory_space<vmem_shared>>
      tpu.enqueue_dma source(%arg10 : memref<128x128xf32, #tpu.memory_space<vmem>>) target(%dma_start3A_38 : memref<128x128xf32, #tpu.memory_space<vmem_shared>>) target_semaphore(%run_scoped3A : memref<!tpu.dma_semaphore, #tpu.memory_space<semaphore_mem>>)
      %dma_wait3A = arith.constant 0 : i32
      %dma_wait3A_39 = tpu.memref_slice %arg11[%add3A_8, %dma_wait3A] : memref<10240x128xf32, #tpu.memory_space<vmem_shared>> -> memref<128x128xf32, #tpu.memory_space<vmem_shared>>
      %dma_wait3A_40 = arith.constant 0 : i32
      %dma_wait3A_41 = tpu.memref_slice %arg11[%add3A_8, %dma_wait3A_40] : memref<10240x128xf32, #tpu.memory_space<vmem_shared>> -> memref<128x128xf32, #tpu.memory_space<vmem_shared>>
      tpu.wait_dma2 semaphore(%run_scoped3A : memref<!tpu.dma_semaphore, #tpu.memory_space<semaphore_mem>>) src(%arg10 : memref<128x128xf32, #tpu.memory_space<vmem>>) dst(%dma_wait3A_41 : memref<128x128xf32, #tpu.memory_space<vmem_shared>>)
      tpu.yield
    }) : () -> ()
    %add3A_9 = arith.constant 384 : i32
    %add3A_10 = arith.addi %multiple_of3A, %add3A_9 : i32
    "tpu.region"() ({
      %run_scoped3A = tpu.sem_alloc : memref<!tpu.dma_semaphore, #tpu.memory_space<semaphore_mem>>
      %dma_start3A = arith.constant 0 : i32
      %dma_start3A_36 = tpu.memref_slice %arg11[%add3A_10, %dma_start3A] : memref<10240x128xf32, #tpu.memory_space<vmem_shared>> -> memref<128x128xf32, #tpu.memory_space<vmem_shared>>
      %dma_start3A_37 = arith.constant 0 : i32
      %dma_start3A_38 = tpu.memref_slice %arg11[%add3A_10, %dma_start3A_37] : memref<10240x128xf32, #tpu.memory_space<vmem_shared>> -> memref<128x128xf32, #tpu.memory_space<vmem_shared>>
      tpu.enqueue_dma source(%arg10 : memref<128x128xf32, #tpu.memory_space<vmem>>) target(%dma_start3A_38 : memref<128x128xf32, #tpu.memory_space<vmem_shared>>) target_semaphore(%run_scoped3A : memref<!tpu.dma_semaphore, #tpu.memory_space<semaphore_mem>>)
      %dma_wait3A = arith.constant 0 : i32
      %dma_wait3A_39 = tpu.memref_slice %arg11[%add3A_10, %dma_wait3A] : memref<10240x128xf32, #tpu.memory_space<vmem_shared>> -> memref<128x128xf32, #tpu.memory_space<vmem_shared>>
      %dma_wait3A_40 = arith.constant 0 : i32
      %dma_wait3A_41 = tpu.memref_slice %arg11[%add3A_10, %dma_wait3A_40] : memref<10240x128xf32, #tpu.memory_space<vmem_shared>> -> memref<128x128xf32, #tpu.memory_space<vmem_shared>>
      tpu.wait_dma2 semaphore(%run_scoped3A : memref<!tpu.dma_semaphore, #tpu.memory_space<semaphore_mem>>) src(%arg10 : memref<128x128xf32, #tpu.memory_space<vmem>>) dst(%dma_wait3A_41 : memref<128x128xf32, #tpu.memory_space<vmem_shared>>)
      tpu.yield
    }) : () -> ()
    %add3A_11 = arith.constant 512 : i32
    %add3A_12 = arith.addi %multiple_of3A, %add3A_11 : i32
    "tpu.region"() ({
      %run_scoped3A = tpu.sem_alloc : memref<!tpu.dma_semaphore, #tpu.memory_space<semaphore_mem>>
      %dma_start3A = arith.constant 0 : i32
      %dma_start3A_36 = tpu.memref_slice %arg11[%add3A_12, %dma_start3A] : memref<10240x128xf32, #tpu.memory_space<vmem_shared>> -> memref<128x128xf32, #tpu.memory_space<vmem_shared>>
      %dma_start3A_37 = arith.constant 0 : i32
      %dma_start3A_38 = tpu.memref_slice %arg11[%add3A_12, %dma_start3A_37] : memref<10240x128xf32, #tpu.memory_space<vmem_shared>> -> memref<128x128xf32, #tpu.memory_space<vmem_shared>>
      tpu.enqueue_dma source(%arg10 : memref<128x128xf32, #tpu.memory_space<vmem>>) target(%dma_start3A_38 : memref<128x128xf32, #tpu.memory_space<vmem_shared>>) target_semaphore(%run_scoped3A : memref<!tpu.dma_semaphore, #tpu.memory_space<semaphore_mem>>)
      %dma_wait3A = arith.constant 0 : i32
      %dma_wait3A_39 = tpu.memref_slice %arg11[%add3A_12, %dma_wait3A] : memref<10240x128xf32, #tpu.memory_space<vmem_shared>> -> memref<128x128xf32, #tpu.memory_space<vmem_shared>>
      %dma_wait3A_40 = arith.constant 0 : i32
      %dma_wait3A_41 = tpu.memref_slice %arg11[%add3A_12, %dma_wait3A_40] : memref<10240x128xf32, #tpu.memory_space<vmem_shared>> -> memref<128x128xf32, #tpu.memory_space<vmem_shared>>
      tpu.wait_dma2 semaphore(%run_scoped3A : memref<!tpu.dma_semaphore, #tpu.memory_space<semaphore_mem>>) src(%arg10 : memref<128x128xf32, #tpu.memory_space<vmem>>) dst(%dma_wait3A_41 : memref<128x128xf32, #tpu.memory_space<vmem_shared>>)
      tpu.yield
    }) : () -> ()
    %barrier3A = arith.constant 0 : index
    tpu.barrier barrier_id(%barrier3A)
    %mul3A_13 = arith.constant 10000 : i32
    %mul3A_14 = arith.muli %add3A, %mul3A_13 : i32
    %scan3A = arith.constant 0 : i32
    %scan3A_15 = arith.constant 0 : i32
    %scan3A_16 = arith.constant 125 : i32
    %scan3A_17 = arith.addi %scan3A_15, %scan3A_16 : i32
    %scan3A_18 = arith.constant 1 : i32
    scf.for %scan3A_36 = %scan3A_15 to %scan3A_17 step %scan3A_18  : i32 {
      %mul3A_37 = arith.constant 80 : i32
      %mul3A_38 = arith.muli %scan3A_36, %mul3A_37 : i32
      %add3A_39 = arith.addi %mul3A_14, %mul3A_38 : i32
      %multiple_of3A_40 = tpu.assume_multiple %add3A_39, 8 : i32
      "tpu.region"() ({
        %run_scoped3A = tpu.sem_alloc : memref<!tpu.dma_semaphore, #tpu.memory_space<semaphore_mem>>
        %dma_start3A_45 = tpu.memref_slice %arg3[%multiple_of3A_40] : memref<320000xi32, #tpu.memory_space<hbm>> -> memref<80xi32, #tpu.memory_space<hbm>>
        %dma_start3A_46 = tpu.memref_slice %arg3[%multiple_of3A_40] : memref<320000xi32, #tpu.memory_space<hbm>> -> memref<80xi32, #tpu.memory_space<hbm>>
        tpu.enqueue_dma source(%dma_start3A_46 : memref<80xi32, #tpu.memory_space<hbm>>) target(%arg7 : memref<80xi32, #tpu.memory_space<vmem>>) target_semaphore(%run_scoped3A : memref<!tpu.dma_semaphore, #tpu.memory_space<semaphore_mem>>)
        %dma_wait3A_47 = tpu.memref_slice %arg3[%multiple_of3A_40] : memref<320000xi32, #tpu.memory_space<hbm>> -> memref<80xi32, #tpu.memory_space<hbm>>
        %dma_wait3A_48 = tpu.memref_slice %arg3[%multiple_of3A_40] : memref<320000xi32, #tpu.memory_space<hbm>> -> memref<80xi32, #tpu.memory_space<hbm>>
        tpu.wait_dma2 semaphore(%run_scoped3A : memref<!tpu.dma_semaphore, #tpu.memory_space<semaphore_mem>>) src(%dma_wait3A_48 : memref<80xi32, #tpu.memory_space<hbm>>) dst(%arg7 : memref<80xi32, #tpu.memory_space<vmem>>)
        tpu.yield
      }) : () -> ()
      "tpu.region"() ({
        %run_scoped3A = tpu.sem_alloc : memref<!tpu.dma_semaphore, #tpu.memory_space<semaphore_mem>>
        %dma_start3A_45 = tpu.memref_slice %arg4[%multiple_of3A_40] : memref<320000xi32, #tpu.memory_space<hbm>> -> memref<80xi32, #tpu.memory_space<hbm>>
        %dma_start3A_46 = tpu.memref_slice %arg4[%multiple_of3A_40] : memref<320000xi32, #tpu.memory_space<hbm>> -> memref<80xi32, #tpu.memory_space<hbm>>
        tpu.enqueue_dma source(%dma_start3A_46 : memref<80xi32, #tpu.memory_space<hbm>>) target(%arg8 : memref<80xi32, #tpu.memory_space<vmem>>) target_semaphore(%run_scoped3A : memref<!tpu.dma_semaphore, #tpu.memory_space<semaphore_mem>>)
        %dma_wait3A_47 = tpu.memref_slice %arg4[%multiple_of3A_40] : memref<320000xi32, #tpu.memory_space<hbm>> -> memref<80xi32, #tpu.memory_space<hbm>>
        %dma_wait3A_48 = tpu.memref_slice %arg4[%multiple_of3A_40] : memref<320000xi32, #tpu.memory_space<hbm>> -> memref<80xi32, #tpu.memory_space<hbm>>
        tpu.wait_dma2 semaphore(%run_scoped3A : memref<!tpu.dma_semaphore, #tpu.memory_space<semaphore_mem>>) src(%dma_wait3A_48 : memref<80xi32, #tpu.memory_space<hbm>>) dst(%arg8 : memref<80xi32, #tpu.memory_space<vmem>>)
        tpu.yield
      }) : () -> ()
      %dma_start3A = arith.constant 0 : i32
      %dma_start3A_41 = arith.constant 0 : i32
      %dma_start3A_42 = tpu.memref_slice %arg2[%dma_start3A, %dma_start3A_41] : memref<10240x128xf32, #tpu.memory_space<hbm>> -> memref<10240x128xf32, #tpu.memory_space<hbm>>
      tpu.enqueue_indirect_dma source(%dma_start3A_42 : memref<10240x128xf32, #tpu.memory_space<hbm>>) target(%arg9 : memref<80x128xf32, #tpu.memory_space<vmem>>) offsets(%arg7 : memref<80xi32, #tpu.memory_space<vmem>>) semaphore(%arg12 : memref<!tpu.dma_semaphore, #tpu.memory_space<semaphore_mem>>)
      %dma_wait3A = arith.constant 0 : i32
      %dma_wait3A_43 = arith.constant 0 : i32
      %dma_wait3A_44 = tpu.memref_slice %arg2[%dma_wait3A, %dma_wait3A_43] : memref<10240x128xf32, #tpu.memory_space<hbm>> -> memref<10240x128xf32, #tpu.memory_space<hbm>>
      tpu.wait_indirect_dma semaphore(%arg12 : memref<!tpu.dma_semaphore, #tpu.memory_space<semaphore_mem>>) src(%dma_wait3A_44 : memref<10240x128xf32, #tpu.memory_space<hbm>>) dst(%arg9 : memref<80x128xf32, #tpu.memory_space<vmem>>)
      "tpu.region"() ({
        %run_scoped3A = tpu.sem_alloc : memref<!tpu.dma_semaphore, #tpu.memory_space<semaphore_mem>>
        %dma_start3A_45 = arith.constant 0 : i32
        %dma_start3A_46 = arith.constant 0 : i32
        %dma_start3A_47 = tpu.memref_slice %arg11[%dma_start3A_45, %dma_start3A_46] : memref<10240x128xf32, #tpu.memory_space<vmem_shared>> -> memref<10240x128xf32, #tpu.memory_space<vmem_shared>>
        tpu.enqueue_indirect_dma source(%arg9 : memref<80x128xf32, #tpu.memory_space<vmem>>) target(%dma_start3A_47 : memref<10240x128xf32, #tpu.memory_space<vmem_shared>>) offsets(%arg8 : memref<80xi32, #tpu.memory_space<vmem>>) semaphore(%run_scoped3A : memref<!tpu.dma_semaphore, #tpu.memory_space<semaphore_mem>>) {add = true}
        %dma_wait3A_48 = arith.constant 0 : i32
        %dma_wait3A_49 = arith.constant 0 : i32
        %dma_wait3A_50 = tpu.memref_slice %arg11[%dma_wait3A_48, %dma_wait3A_49] : memref<10240x128xf32, #tpu.memory_space<vmem_shared>> -> memref<10240x128xf32, #tpu.memory_space<vmem_shared>>
        tpu.wait_indirect_dma semaphore(%run_scoped3A : memref<!tpu.dma_semaphore, #tpu.memory_space<semaphore_mem>>) src(%arg9 : memref<80x128xf32, #tpu.memory_space<vmem>>) dst(%dma_wait3A_50 : memref<10240x128xf32, #tpu.memory_space<vmem_shared>>)
        tpu.yield
      }) : () -> ()
    }
    %scan3A_19 = arith.constant 125 : i32
    %barrier3A_20 = arith.constant 0 : index
    tpu.barrier barrier_id(%barrier3A_20)
    %add3A_21 = arith.constant 0 : i32
    %add3A_22 = arith.addi %multiple_of3A, %add3A_21 : i32
    %multiple_of3A_23 = tpu.assume_multiple %add3A_22, 8 : i32
    "tpu.region"() ({
      %run_scoped3A = tpu.sem_alloc : memref<!tpu.dma_semaphore, #tpu.memory_space<semaphore_mem>>
      %dma_start3A = arith.constant 0 : i32
      %dma_start3A_36 = tpu.memref_slice %arg11[%multiple_of3A_23, %dma_start3A] : memref<10240x128xf32, #tpu.memory_space<vmem_shared>> -> memref<128x128xf32, #tpu.memory_space<vmem_shared>>
      %dma_start3A_37 = arith.constant 0 : i32
      %dma_start3A_38 = tpu.memref_slice %arg11[%multiple_of3A_23, %dma_start3A_37] : memref<10240x128xf32, #tpu.memory_space<vmem_shared>> -> memref<128x128xf32, #tpu.memory_space<vmem_shared>>
      tpu.enqueue_dma source(%dma_start3A_38 : memref<128x128xf32, #tpu.memory_space<vmem_shared>>) target(%arg10 : memref<128x128xf32, #tpu.memory_space<vmem>>) target_semaphore(%run_scoped3A : memref<!tpu.dma_semaphore, #tpu.memory_space<semaphore_mem>>)
      %dma_wait3A = arith.constant 0 : i32
      %dma_wait3A_39 = tpu.memref_slice %arg11[%multiple_of3A_23, %dma_wait3A] : memref<10240x128xf32, #tpu.memory_space<vmem_shared>> -> memref<128x128xf32, #tpu.memory_space<vmem_shared>>
      %dma_wait3A_40 = arith.constant 0 : i32
      %dma_wait3A_41 = tpu.memref_slice %arg11[%multiple_of3A_23, %dma_wait3A_40] : memref<10240x128xf32, #tpu.memory_space<vmem_shared>> -> memref<128x128xf32, #tpu.memory_space<vmem_shared>>
      tpu.wait_dma2 semaphore(%run_scoped3A : memref<!tpu.dma_semaphore, #tpu.memory_space<semaphore_mem>>) src(%dma_wait3A_41 : memref<128x128xf32, #tpu.memory_space<vmem_shared>>) dst(%arg10 : memref<128x128xf32, #tpu.memory_space<vmem>>)
      tpu.yield
    }) : () -> ()
    "tpu.region"() ({
      %run_scoped3A = tpu.sem_alloc : memref<!tpu.dma_semaphore, #tpu.memory_space<semaphore_mem>>
      %dma_start3A = arith.constant 0 : i32
      %dma_start3A_36 = tpu.memref_slice %arg6[%arg0, %multiple_of3A_23, %dma_start3A] : memref<2x10240x128xf32, #tpu.memory_space<hbm>> -> memref<1x128x128xf32, #tpu.memory_space<hbm>>
      %dma_start3A_37 = tpu.memref_squeeze %dma_start3A_36 : memref<1x128x128xf32, #tpu.memory_space<hbm>> -> memref<128x128xf32, #tpu.memory_space<hbm>>
      %dma_start3A_38 = arith.constant 0 : i32
      %dma_start3A_39 = tpu.memref_slice %arg6[%arg0, %multiple_of3A_23, %dma_start3A_38] : memref<2x10240x128xf32, #tpu.memory_space<hbm>> -> memref<1x128x128xf32, #tpu.memory_space<hbm>>
      %dma_start3A_40 = tpu.memref_squeeze %dma_start3A_39 : memref<1x128x128xf32, #tpu.memory_space<hbm>> -> memref<128x128xf32, #tpu.memory_space<hbm>>
      tpu.enqueue_dma source(%arg10 : memref<128x128xf32, #tpu.memory_space<vmem>>) target(%dma_start3A_40 : memref<128x128xf32, #tpu.memory_space<hbm>>) target_semaphore(%run_scoped3A : memref<!tpu.dma_semaphore, #tpu.memory_space<semaphore_mem>>)
      %dma_wait3A = arith.constant 0 : i32
      %dma_wait3A_41 = tpu.memref_slice %arg6[%arg0, %multiple_of3A_23, %dma_wait3A] : memref<2x10240x128xf32, #tpu.memory_space<hbm>> -> memref<1x128x128xf32, #tpu.memory_space<hbm>>
      %dma_wait3A_42 = tpu.memref_squeeze %dma_wait3A_41 : memref<1x128x128xf32, #tpu.memory_space<hbm>> -> memref<128x128xf32, #tpu.memory_space<hbm>>
      %dma_wait3A_43 = arith.constant 0 : i32
      %dma_wait3A_44 = tpu.memref_slice %arg6[%arg0, %multiple_of3A_23, %dma_wait3A_43] : memref<2x10240x128xf32, #tpu.memory_space<hbm>> -> memref<1x128x128xf32, #tpu.memory_space<hbm>>
      %dma_wait3A_45 = tpu.memref_squeeze %dma_wait3A_44 : memref<1x128x128xf32, #tpu.memory_space<hbm>> -> memref<128x128xf32, #tpu.memory_space<hbm>>
      tpu.wait_dma2 semaphore(%run_scoped3A : memref<!tpu.dma_semaphore, #tpu.memory_space<semaphore_mem>>) src(%arg10 : memref<128x128xf32, #tpu.memory_space<vmem>>) dst(%dma_wait3A_45 : memref<128x128xf32, #tpu.memory_space<hbm>>)
      tpu.yield
    }) : () -> ()
    %add3A_24 = arith.constant 128 : i32
    %add3A_25 = arith.addi %multiple_of3A, %add3A_24 : i32
    %multiple_of3A_26 = tpu.assume_multiple %add3A_25, 8 : i32
    "tpu.region"() ({
      %run_scoped3A = tpu.sem_alloc : memref<!tpu.dma_semaphore, #tpu.memory_space<semaphore_mem>>
      %dma_start3A = arith.constant 0 : i32
      %dma_start3A_36 = tpu.memref_slice %arg11[%multiple_of3A_26, %dma_start3A] : memref<10240x128xf32, #tpu.memory_space<vmem_shared>> -> memref<128x128xf32, #tpu.memory_space<vmem_shared>>
      %dma_start3A_37 = arith.constant 0 : i32
      %dma_start3A_38 = tpu.memref_slice %arg11[%multiple_of3A_26, %dma_start3A_37] : memref<10240x128xf32, #tpu.memory_space<vmem_shared>> -> memref<128x128xf32, #tpu.memory_space<vmem_shared>>
      tpu.enqueue_dma source(%dma_start3A_38 : memref<128x128xf32, #tpu.memory_space<vmem_shared>>) target(%arg10 : memref<128x128xf32, #tpu.memory_space<vmem>>) target_semaphore(%run_scoped3A : memref<!tpu.dma_semaphore, #tpu.memory_space<semaphore_mem>>)
      %dma_wait3A = arith.constant 0 : i32
      %dma_wait3A_39 = tpu.memref_slice %arg11[%multiple_of3A_26, %dma_wait3A] : memref<10240x128xf32, #tpu.memory_space<vmem_shared>> -> memref<128x128xf32, #tpu.memory_space<vmem_shared>>
      %dma_wait3A_40 = arith.constant 0 : i32
      %dma_wait3A_41 = tpu.memref_slice %arg11[%multiple_of3A_26, %dma_wait3A_40] : memref<10240x128xf32, #tpu.memory_space<vmem_shared>> -> memref<128x128xf32, #tpu.memory_space<vmem_shared>>
      tpu.wait_dma2 semaphore(%run_scoped3A : memref<!tpu.dma_semaphore, #tpu.memory_space<semaphore_mem>>) src(%dma_wait3A_41 : memref<128x128xf32, #tpu.memory_space<vmem_shared>>) dst(%arg10 : memref<128x128xf32, #tpu.memory_space<vmem>>)
      tpu.yield
    }) : () -> ()
    "tpu.region"() ({
      %run_scoped3A = tpu.sem_alloc : memref<!tpu.dma_semaphore, #tpu.memory_space<semaphore_mem>>
      %dma_start3A = arith.constant 0 : i32
      %dma_start3A_36 = tpu.memref_slice %arg6[%arg0, %multiple_of3A_26, %dma_start3A] : memref<2x10240x128xf32, #tpu.memory_space<hbm>> -> memref<1x128x128xf32, #tpu.memory_space<hbm>>
      %dma_start3A_37 = tpu.memref_squeeze %dma_start3A_36 : memref<1x128x128xf32, #tpu.memory_space<hbm>> -> memref<128x128xf32, #tpu.memory_space<hbm>>
      %dma_start3A_38 = arith.constant 0 : i32
      %dma_start3A_39 = tpu.memref_slice %arg6[%arg0, %multiple_of3A_26, %dma_start3A_38] : memref<2x10240x128xf32, #tpu.memory_space<hbm>> -> memref<1x128x128xf32, #tpu.memory_space<hbm>>
      %dma_start3A_40 = tpu.memref_squeeze %dma_start3A_39 : memref<1x128x128xf32, #tpu.memory_space<hbm>> -> memref<128x128xf32, #tpu.memory_space<hbm>>
      tpu.enqueue_dma source(%arg10 : memref<128x128xf32, #tpu.memory_space<vmem>>) target(%dma_start3A_40 : memref<128x128xf32, #tpu.memory_space<hbm>>) target_semaphore(%run_scoped3A : memref<!tpu.dma_semaphore, #tpu.memory_space<semaphore_mem>>)
      %dma_wait3A = arith.constant 0 : i32
      %dma_wait3A_41 = tpu.memref_slice %arg6[%arg0, %multiple_of3A_26, %dma_wait3A] : memref<2x10240x128xf32, #tpu.memory_space<hbm>> -> memref<1x128x128xf32, #tpu.memory_space<hbm>>
      %dma_wait3A_42 = tpu.memref_squeeze %dma_wait3A_41 : memref<1x128x128xf32, #tpu.memory_space<hbm>> -> memref<128x128xf32, #tpu.memory_space<hbm>>
      %dma_wait3A_43 = arith.constant 0 : i32
      %dma_wait3A_44 = tpu.memref_slice %arg6[%arg0, %multiple_of3A_26, %dma_wait3A_43] : memref<2x10240x128xf32, #tpu.memory_space<hbm>> -> memref<1x128x128xf32, #tpu.memory_space<hbm>>
      %dma_wait3A_45 = tpu.memref_squeeze %dma_wait3A_44 : memref<1x128x128xf32, #tpu.memory_space<hbm>> -> memref<128x128xf32, #tpu.memory_space<hbm>>
      tpu.wait_dma2 semaphore(%run_scoped3A : memref<!tpu.dma_semaphore, #tpu.memory_space<semaphore_mem>>) src(%arg10 : memref<128x128xf32, #tpu.memory_space<vmem>>) dst(%dma_wait3A_45 : memref<128x128xf32, #tpu.memory_space<hbm>>)
      tpu.yield
    }) : () -> ()
    %add3A_27 = arith.constant 256 : i32
    %add3A_28 = arith.addi %multiple_of3A, %add3A_27 : i32
    %multiple_of3A_29 = tpu.assume_multiple %add3A_28, 8 : i32
    "tpu.region"() ({
      %run_scoped3A = tpu.sem_alloc : memref<!tpu.dma_semaphore, #tpu.memory_space<semaphore_mem>>
      %dma_start3A = arith.constant 0 : i32
      %dma_start3A_36 = tpu.memref_slice %arg11[%multiple_of3A_29, %dma_start3A] : memref<10240x128xf32, #tpu.memory_space<vmem_shared>> -> memref<128x128xf32, #tpu.memory_space<vmem_shared>>
      %dma_start3A_37 = arith.constant 0 : i32
      %dma_start3A_38 = tpu.memref_slice %arg11[%multiple_of3A_29, %dma_start3A_37] : memref<10240x128xf32, #tpu.memory_space<vmem_shared>> -> memref<128x128xf32, #tpu.memory_space<vmem_shared>>
      tpu.enqueue_dma source(%dma_start3A_38 : memref<128x128xf32, #tpu.memory_space<vmem_shared>>) target(%arg10 : memref<128x128xf32, #tpu.memory_space<vmem>>) target_semaphore(%run_scoped3A : memref<!tpu.dma_semaphore, #tpu.memory_space<semaphore_mem>>)
      %dma_wait3A = arith.constant 0 : i32
      %dma_wait3A_39 = tpu.memref_slice %arg11[%multiple_of3A_29, %dma_wait3A] : memref<10240x128xf32, #tpu.memory_space<vmem_shared>> -> memref<128x128xf32, #tpu.memory_space<vmem_shared>>
      %dma_wait3A_40 = arith.constant 0 : i32
      %dma_wait3A_41 = tpu.memref_slice %arg11[%multiple_of3A_29, %dma_wait3A_40] : memref<10240x128xf32, #tpu.memory_space<vmem_shared>> -> memref<128x128xf32, #tpu.memory_space<vmem_shared>>
      tpu.wait_dma2 semaphore(%run_scoped3A : memref<!tpu.dma_semaphore, #tpu.memory_space<semaphore_mem>>) src(%dma_wait3A_41 : memref<128x128xf32, #tpu.memory_space<vmem_shared>>) dst(%arg10 : memref<128x128xf32, #tpu.memory_space<vmem>>)
      tpu.yield
    }) : () -> ()
    "tpu.region"() ({
      %run_scoped3A = tpu.sem_alloc : memref<!tpu.dma_semaphore, #tpu.memory_space<semaphore_mem>>
      %dma_start3A = arith.constant 0 : i32
      %dma_start3A_36 = tpu.memref_slice %arg6[%arg0, %multiple_of3A_29, %dma_start3A] : memref<2x10240x128xf32, #tpu.memory_space<hbm>> -> memref<1x128x128xf32, #tpu.memory_space<hbm>>
      %dma_start3A_37 = tpu.memref_squeeze %dma_start3A_36 : memref<1x128x128xf32, #tpu.memory_space<hbm>> -> memref<128x128xf32, #tpu.memory_space<hbm>>
      %dma_start3A_38 = arith.constant 0 : i32
      %dma_start3A_39 = tpu.memref_slice %arg6[%arg0, %multiple_of3A_29, %dma_start3A_38] : memref<2x10240x128xf32, #tpu.memory_space<hbm>> -> memref<1x128x128xf32, #tpu.memory_space<hbm>>
      %dma_start3A_40 = tpu.memref_squeeze %dma_start3A_39 : memref<1x128x128xf32, #tpu.memory_space<hbm>> -> memref<128x128xf32, #tpu.memory_space<hbm>>
      tpu.enqueue_dma source(%arg10 : memref<128x128xf32, #tpu.memory_space<vmem>>) target(%dma_start3A_40 : memref<128x128xf32, #tpu.memory_space<hbm>>) target_semaphore(%run_scoped3A : memref<!tpu.dma_semaphore, #tpu.memory_space<semaphore_mem>>)
      %dma_wait3A = arith.constant 0 : i32
      %dma_wait3A_41 = tpu.memref_slice %arg6[%arg0, %multiple_of3A_29, %dma_wait3A] : memref<2x10240x128xf32, #tpu.memory_space<hbm>> -> memref<1x128x128xf32, #tpu.memory_space<hbm>>
      %dma_wait3A_42 = tpu.memref_squeeze %dma_wait3A_41 : memref<1x128x128xf32, #tpu.memory_space<hbm>> -> memref<128x128xf32, #tpu.memory_space<hbm>>
      %dma_wait3A_43 = arith.constant 0 : i32
      %dma_wait3A_44 = tpu.memref_slice %arg6[%arg0, %multiple_of3A_29, %dma_wait3A_43] : memref<2x10240x128xf32, #tpu.memory_space<hbm>> -> memref<1x128x128xf32, #tpu.memory_space<hbm>>
      %dma_wait3A_45 = tpu.memref_squeeze %dma_wait3A_44 : memref<1x128x128xf32, #tpu.memory_space<hbm>> -> memref<128x128xf32, #tpu.memory_space<hbm>>
      tpu.wait_dma2 semaphore(%run_scoped3A : memref<!tpu.dma_semaphore, #tpu.memory_space<semaphore_mem>>) src(%arg10 : memref<128x128xf32, #tpu.memory_space<vmem>>) dst(%dma_wait3A_45 : memref<128x128xf32, #tpu.memory_space<hbm>>)
      tpu.yield
    }) : () -> ()
    %add3A_30 = arith.constant 384 : i32
    %add3A_31 = arith.addi %multiple_of3A, %add3A_30 : i32
    %multiple_of3A_32 = tpu.assume_multiple %add3A_31, 8 : i32
    "tpu.region"() ({
      %run_scoped3A = tpu.sem_alloc : memref<!tpu.dma_semaphore, #tpu.memory_space<semaphore_mem>>
      %dma_start3A = arith.constant 0 : i32
      %dma_start3A_36 = tpu.memref_slice %arg11[%multiple_of3A_32, %dma_start3A] : memref<10240x128xf32, #tpu.memory_space<vmem_shared>> -> memref<128x128xf32, #tpu.memory_space<vmem_shared>>
      %dma_start3A_37 = arith.constant 0 : i32
      %dma_start3A_38 = tpu.memref_slice %arg11[%multiple_of3A_32, %dma_start3A_37] : memref<10240x128xf32, #tpu.memory_space<vmem_shared>> -> memref<128x128xf32, #tpu.memory_space<vmem_shared>>
      tpu.enqueue_dma source(%dma_start3A_38 : memref<128x128xf32, #tpu.memory_space<vmem_shared>>) target(%arg10 : memref<128x128xf32, #tpu.memory_space<vmem>>) target_semaphore(%run_scoped3A : memref<!tpu.dma_semaphore, #tpu.memory_space<semaphore_mem>>)
      %dma_wait3A = arith.constant 0 : i32
      %dma_wait3A_39 = tpu.memref_slice %arg11[%multiple_of3A_32, %dma_wait3A] : memref<10240x128xf32, #tpu.memory_space<vmem_shared>> -> memref<128x128xf32, #tpu.memory_space<vmem_shared>>
      %dma_wait3A_40 = arith.constant 0 : i32
      %dma_wait3A_41 = tpu.memref_slice %arg11[%multiple_of3A_32, %dma_wait3A_40] : memref<10240x128xf32, #tpu.memory_space<vmem_shared>> -> memref<128x128xf32, #tpu.memory_space<vmem_shared>>
      tpu.wait_dma2 semaphore(%run_scoped3A : memref<!tpu.dma_semaphore, #tpu.memory_space<semaphore_mem>>) src(%dma_wait3A_41 : memref<128x128xf32, #tpu.memory_space<vmem_shared>>) dst(%arg10 : memref<128x128xf32, #tpu.memory_space<vmem>>)
      tpu.yield
    }) : () -> ()
    "tpu.region"() ({
      %run_scoped3A = tpu.sem_alloc : memref<!tpu.dma_semaphore, #tpu.memory_space<semaphore_mem>>
      %dma_start3A = arith.constant 0 : i32
      %dma_start3A_36 = tpu.memref_slice %arg6[%arg0, %multiple_of3A_32, %dma_start3A] : memref<2x10240x128xf32, #tpu.memory_space<hbm>> -> memref<1x128x128xf32, #tpu.memory_space<hbm>>
      %dma_start3A_37 = tpu.memref_squeeze %dma_start3A_36 : memref<1x128x128xf32, #tpu.memory_space<hbm>> -> memref<128x128xf32, #tpu.memory_space<hbm>>
      %dma_start3A_38 = arith.constant 0 : i32
      %dma_start3A_39 = tpu.memref_slice %arg6[%arg0, %multiple_of3A_32, %dma_start3A_38] : memref<2x10240x128xf32, #tpu.memory_space<hbm>> -> memref<1x128x128xf32, #tpu.memory_space<hbm>>
      %dma_start3A_40 = tpu.memref_squeeze %dma_start3A_39 : memref<1x128x128xf32, #tpu.memory_space<hbm>> -> memref<128x128xf32, #tpu.memory_space<hbm>>
      tpu.enqueue_dma source(%arg10 : memref<128x128xf32, #tpu.memory_space<vmem>>) target(%dma_start3A_40 : memref<128x128xf32, #tpu.memory_space<hbm>>) target_semaphore(%run_scoped3A : memref<!tpu.dma_semaphore, #tpu.memory_space<semaphore_mem>>)
      %dma_wait3A = arith.constant 0 : i32
      %dma_wait3A_41 = tpu.memref_slice %arg6[%arg0, %multiple_of3A_32, %dma_wait3A] : memref<2x10240x128xf32, #tpu.memory_space<hbm>> -> memref<1x128x128xf32, #tpu.memory_space<hbm>>
      %dma_wait3A_42 = tpu.memref_squeeze %dma_wait3A_41 : memref<1x128x128xf32, #tpu.memory_space<hbm>> -> memref<128x128xf32, #tpu.memory_space<hbm>>
      %dma_wait3A_43 = arith.constant 0 : i32
      %dma_wait3A_44 = tpu.memref_slice %arg6[%arg0, %multiple_of3A_32, %dma_wait3A_43] : memref<2x10240x128xf32, #tpu.memory_space<hbm>> -> memref<1x128x128xf32, #tpu.memory_space<hbm>>
      %dma_wait3A_45 = tpu.memref_squeeze %dma_wait3A_44 : memref<1x128x128xf32, #tpu.memory_space<hbm>> -> memref<128x128xf32, #tpu.memory_space<hbm>>
      tpu.wait_dma2 semaphore(%run_scoped3A : memref<!tpu.dma_semaphore, #tpu.memory_space<semaphore_mem>>) src(%arg10 : memref<128x128xf32, #tpu.memory_space<vmem>>) dst(%dma_wait3A_45 : memref<128x128xf32, #tpu.memory_space<hbm>>)
      tpu.yield
    }) : () -> ()
    %add3A_33 = arith.constant 512 : i32
    %add3A_34 = arith.addi %multiple_of3A, %add3A_33 : i32
    %multiple_of3A_35 = tpu.assume_multiple %add3A_34, 8 : i32
    "tpu.region"() ({
      %run_scoped3A = tpu.sem_alloc : memref<!tpu.dma_semaphore, #tpu.memory_space<semaphore_mem>>
      %dma_start3A = arith.constant 0 : i32
      %dma_start3A_36 = tpu.memref_slice %arg11[%multiple_of3A_35, %dma_start3A] : memref<10240x128xf32, #tpu.memory_space<vmem_shared>> -> memref<128x128xf32, #tpu.memory_space<vmem_shared>>
      %dma_start3A_37 = arith.constant 0 : i32
      %dma_start3A_38 = tpu.memref_slice %arg11[%multiple_of3A_35, %dma_start3A_37] : memref<10240x128xf32, #tpu.memory_space<vmem_shared>> -> memref<128x128xf32, #tpu.memory_space<vmem_shared>>
      tpu.enqueue_dma source(%dma_start3A_38 : memref<128x128xf32, #tpu.memory_space<vmem_shared>>) target(%arg10 : memref<128x128xf32, #tpu.memory_space<vmem>>) target_semaphore(%run_scoped3A : memref<!tpu.dma_semaphore, #tpu.memory_space<semaphore_mem>>)
      %dma_wait3A = arith.constant 0 : i32
      %dma_wait3A_39 = tpu.memref_slice %arg11[%multiple_of3A_35, %dma_wait3A] : memref<10240x128xf32, #tpu.memory_space<vmem_shared>> -> memref<128x128xf32, #tpu.memory_space<vmem_shared>>
      %dma_wait3A_40 = arith.constant 0 : i32
      %dma_wait3A_41 = tpu.memref_slice %arg11[%multiple_of3A_35, %dma_wait3A_40] : memref<10240x128xf32, #tpu.memory_space<vmem_shared>> -> memref<128x128xf32, #tpu.memory_space<vmem_shared>>
      tpu.wait_dma2 semaphore(%run_scoped3A : memref<!tpu.dma_semaphore, #tpu.memory_space<semaphore_mem>>) src(%dma_wait3A_41 : memref<128x128xf32, #tpu.memory_space<vmem_shared>>) dst(%arg10 : memref<128x128xf32, #tpu.memory_space<vmem>>)
      tpu.yield
    }) : () -> ()
    "tpu.region"() ({
      %run_scoped3A = tpu.sem_alloc : memref<!tpu.dma_semaphore, #tpu.memory_space<semaphore_mem>>
      %dma_start3A = arith.constant 0 : i32
      %dma_start3A_36 = tpu.memref_slice %arg6[%arg0, %multiple_of3A_35, %dma_start3A] : memref<2x10240x128xf32, #tpu.memory_space<hbm>> -> memref<1x128x128xf32, #tpu.memory_space<hbm>>
      %dma_start3A_37 = tpu.memref_squeeze %dma_start3A_36 : memref<1x128x128xf32, #tpu.memory_space<hbm>> -> memref<128x128xf32, #tpu.memory_space<hbm>>
      %dma_start3A_38 = arith.constant 0 : i32
      %dma_start3A_39 = tpu.memref_slice %arg6[%arg0, %multiple_of3A_35, %dma_start3A_38] : memref<2x10240x128xf32, #tpu.memory_space<hbm>> -> memref<1x128x128xf32, #tpu.memory_space<hbm>>
      %dma_start3A_40 = tpu.memref_squeeze %dma_start3A_39 : memref<1x128x128xf32, #tpu.memory_space<hbm>> -> memref<128x128xf32, #tpu.memory_space<hbm>>
      tpu.enqueue_dma source(%arg10 : memref<128x128xf32, #tpu.memory_space<vmem>>) target(%dma_start3A_40 : memref<128x128xf32, #tpu.memory_space<hbm>>) target_semaphore(%run_scoped3A : memref<!tpu.dma_semaphore, #tpu.memory_space<semaphore_mem>>)
      %dma_wait3A = arith.constant 0 : i32
      %dma_wait3A_41 = tpu.memref_slice %arg6[%arg0, %multiple_of3A_35, %dma_wait3A] : memref<2x10240x128xf32, #tpu.memory_space<hbm>> -> memref<1x128x128xf32, #tpu.memory_space<hbm>>
      %dma_wait3A_42 = tpu.memref_squeeze %dma_wait3A_41 : memref<1x128x128xf32, #tpu.memory_space<hbm>> -> memref<128x128xf32, #tpu.memory_space<hbm>>
      %dma_wait3A_43 = arith.constant 0 : i32
      %dma_wait3A_44 = tpu.memref_slice %arg6[%arg0, %multiple_of3A_35, %dma_wait3A_43] : memref<2x10240x128xf32, #tpu.memory_space<hbm>> -> memref<1x128x128xf32, #tpu.memory_space<hbm>>
      %dma_wait3A_45 = tpu.memref_squeeze %dma_wait3A_44 : memref<1x128x128xf32, #tpu.memory_space<hbm>> -> memref<128x128xf32, #tpu.memory_space<hbm>>
      tpu.wait_dma2 semaphore(%run_scoped3A : memref<!tpu.dma_semaphore, #tpu.memory_space<semaphore_mem>>) src(%arg10 : memref<128x128xf32, #tpu.memory_space<vmem>>) dst(%dma_wait3A_45 : memref<128x128xf32, #tpu.memory_space<hbm>>)
      tpu.yield
    }) : () -> ()
    return
  }
}

module attributes {stable_mosaic.version = 14 : i64} {
  func.func @_prep_body(%arg0: i32, %arg1: memref<2048x1xf32, #tpu.memory_space<vmem>>, %arg2: memref<2048x128xf32, #tpu.memory_space<vmem>>, %arg3: memref<2048x128xf32, #tpu.memory_space<vmem>>) attributes {dimension_semantics = [#tpu.dimension_semantics<arbitrary>], iteration_bounds = array<i64: 5>, scalar_prefetch = 0 : i64, scratch_operands = 0 : i64, tpu.core_type = #tpu.core_type<tc>, window_params = [{transform_indices = @transform_0, window_bounds = array<i64: 2048, 1>}, {transform_indices = @transform_1, window_bounds = array<i64: 2048, 128>}, {transform_indices = @transform_2, window_bounds = array<i64: 2048, 128>}]} {
    %get3A = arith.constant 0 : index
    %get3A_0 = arith.constant 0 : index
    %get3A_1 = vector.load %arg1[%get3A, %get3A_0] : memref<2048x1xf32, #tpu.memory_space<vmem>>, vector<2048x1xf32>
    %rsqrt3A = math.rsqrt %get3A_1 : vector<2048x1xf32>
    %get3A_2 = arith.constant 0 : index
    %get3A_3 = arith.constant 0 : index
    %get3A_4 = vector.load %arg2[%get3A_2, %get3A_3] : memref<2048x128xf32, #tpu.memory_space<vmem>>, vector<2048x128xf32>
    %mul3A = vector.broadcast %rsqrt3A : vector<2048x1xf32> to vector<2048x128xf32>
    %mul3A_5 = arith.mulf %get3A_4, %mul3A : vector<2048x128xf32>
    %swap3A = arith.constant 0 : index
    %swap3A_6 = arith.constant 0 : index
    %swap3A_7 = vector.load %arg3[%swap3A, %swap3A_6] : memref<2048x128xf32, #tpu.memory_space<vmem>>, vector<2048x128xf32>
    tpu.vector_store %arg3[%swap3A, %swap3A_6], %mul3A_5 {strides = array<i32>} : memref<2048x128xf32, #tpu.memory_space<vmem>>, vector<2048x128xf32>,
    return
  }
  func.func @transform_0(%arg0: i32) -> (i32, i32) {
    %c0_i32 = arith.constant 0 : i32
    %c0_i32_0 = arith.constant 0 : i32
    return %arg0, %c0_i32 : i32, i32
  }
  func.func @transform_1(%arg0: i32) -> (i32, i32) {
    %c0_i32 = arith.constant 0 : i32
    %c0_i32_0 = arith.constant 0 : i32
    return %arg0, %c0_i32 : i32, i32
  }
  func.func @transform_2(%arg0: i32) -> (i32, i32) {
    %c0_i32 = arith.constant 0 : i32
    %c0_i32_0 = arith.constant 0 : i32
    return %arg0, %c0_i32 : i32, i32
  }
}

module attributes {stable_mosaic.version = 14 : i64} {
  func.func @_mm_body(%arg0: i32, %arg1: memref<2x2048x128xf32, #tpu.memory_space<vmem>>, %arg2: memref<2048x128xf32, #tpu.memory_space<vmem>>, %arg3: memref<2048x1xf32, #tpu.memory_space<vmem>>, %arg4: memref<128x256xf32, #tpu.memory_space<vmem>>, %arg5: memref<1x256xf32, #tpu.memory_space<vmem>>, %arg6: memref<256x64xf32, #tpu.memory_space<vmem>>, %arg7: memref<2048x128xf32, #tpu.memory_space<vmem>>) attributes {dimension_semantics = [#tpu.dimension_semantics<arbitrary>], iteration_bounds = array<i64: 5>, scalar_prefetch = 0 : i64, scratch_operands = 0 : i64, tpu.core_type = #tpu.core_type<tc>, window_params = [{transform_indices = @transform_0, window_bounds = array<i64: 2, 2048, 128>}, {transform_indices = @transform_1, window_bounds = array<i64: 2048, 128>}, {transform_indices = @transform_2, window_bounds = array<i64: 2048, 1>}, {pipeline_mode = #tpu.pipeline_mode<synchronous>, transform_indices = @transform_3, window_bounds = array<i64: 128, 256>}, {pipeline_mode = #tpu.pipeline_mode<synchronous>, transform_indices = @transform_4, window_bounds = array<i64: 1, 256>}, {pipeline_mode = #tpu.pipeline_mode<synchronous>, transform_indices = @transform_5, window_bounds = array<i64: 256, 64>}, {transform_indices = @transform_6, window_bounds = array<i64: 2048, 128>}]} {
    %get3A = arith.constant 0 : index
    %get3A_0 = arith.constant 0 : index
    %get3A_1 = vector.load %arg3[%get3A, %get3A_0] : memref<2048x1xf32, #tpu.memory_space<vmem>>, vector<2048x1xf32>
    %rsqrt3A = math.rsqrt %get3A_1 : vector<2048x1xf32>
    %get3A_2 = arith.constant 0 : index
    %get3A_3 = arith.constant 0 : index
    %get3A_4 = arith.constant 0 : index
    %get3A_5 = vector.load %arg1[%get3A_2, %get3A_3, %get3A_4] : memref<2x2048x128xf32, #tpu.memory_space<vmem>>, vector<1x2048x128xf32>
    %get3A_6 = vector.shape_cast %get3A_5 : vector<1x2048x128xf32> to vector<2048x128xf32>
    %get3A_7 = arith.constant 1 : index
    %get3A_8 = arith.constant 0 : index
    %get3A_9 = arith.constant 0 : index
    %get3A_10 = vector.load %arg1[%get3A_7, %get3A_8, %get3A_9] : memref<2x2048x128xf32, #tpu.memory_space<vmem>>, vector<1x2048x128xf32>
    %get3A_11 = vector.shape_cast %get3A_10 : vector<1x2048x128xf32> to vector<2048x128xf32>
    %add3A = arith.addf %get3A_6, %get3A_11 : vector<2048x128xf32>
    %get3A_12 = arith.constant 0 : index
    %get3A_13 = arith.constant 0 : index
    %get3A_14 = vector.load %arg2[%get3A_12, %get3A_13] : memref<2048x128xf32, #tpu.memory_space<vmem>>, vector<2048x128xf32>
    %add3A_15 = arith.addf %add3A, %get3A_14 : vector<2048x128xf32>
    %mul3A = vector.broadcast %rsqrt3A : vector<2048x1xf32> to vector<2048x128xf32>
    %mul3A_16 = arith.mulf %add3A_15, %mul3A : vector<2048x128xf32>
    %get3A_17 = arith.constant 0 : index
    %get3A_18 = arith.constant 0 : index
    %get3A_19 = vector.load %arg4[%get3A_17, %get3A_18] : memref<128x256xf32, #tpu.memory_space<vmem>>, vector<128x256xf32>
    %dot_general3A = arith.constant dense<0.000000e+00> : vector<2048x256xf32>
    %dot_general3A_20 = tpu.matmul %mul3A_16, %get3A_19, %dot_general3A {dimension_numbers = #tpu.dot_dimension_numbers<[1], [0], [0], [1], [0, 0, 1, 1], [], []>, precision = #tpu.contract_precision<fp32>, transpose_lhs_hint = false} : vector<2048x128xf32>, vector<128x256xf32>, vector<2048x256xf32> -> vector<2048x256xf32>
    %get3A_21 = arith.constant 0 : index
    %get3A_22 = arith.constant 0 : index
    %get3A_23 = vector.load %arg5[%get3A_21, %get3A_22] : memref<1x256xf32, #tpu.memory_space<vmem>>, vector<1x256xf32>
    %add3A_24 = vector.broadcast %get3A_23 : vector<1x256xf32> to vector<2048x256xf32>
    %add3A_25 = arith.addf %dot_general3A_20, %add3A_24 : vector<2048x256xf32>
    %max3A = arith.constant 0.000000e+00 : f32
    %max3A_26 = vector.broadcast %max3A : f32 to vector<2048x256xf32>
    %max3A_27 = arith.maximumf %add3A_25, %max3A_26 : vector<2048x256xf32>
    %get3A_28 = arith.constant 0 : index
    %get3A_29 = arith.constant 0 : index
    %get3A_30 = vector.load %arg6[%get3A_28, %get3A_29] : memref<256x64xf32, #tpu.memory_space<vmem>>, vector<256x64xf32>
    %dot_general3A_31 = arith.constant dense<0.000000e+00> : vector<2048x64xf32>
    %dot_general3A_32 = tpu.matmul %max3A_27, %get3A_30, %dot_general3A_31 {dimension_numbers = #tpu.dot_dimension_numbers<[1], [0], [0], [1], [0, 0, 1, 1], [], []>, precision = #tpu.contract_precision<fp32>, transpose_lhs_hint = false} : vector<2048x256xf32>, vector<256x64xf32>, vector<2048x64xf32> -> vector<2048x64xf32>
    %mul3A_33 = vector.broadcast %rsqrt3A : vector<2048x1xf32> to vector<2048x64xf32>
    %mul3A_34 = arith.mulf %dot_general3A_32, %mul3A_33 : vector<2048x64xf32>
    %broadcast_in_dim3A = arith.constant 0.000000e+00 : f32
    %broadcast_in_dim3A_35 = vector.broadcast %broadcast_in_dim3A : f32 to vector<2048x64xf32>
    %concatenate3A = tpu.concatenate %mul3A_34, %broadcast_in_dim3A_35 in 1 : vector<2048x64xf32>, vector<2048x64xf32> -> vector<2048x128xf32>
    %swap3A = arith.constant 0 : index
    %swap3A_36 = arith.constant 0 : index
    %swap3A_37 = vector.load %arg7[%swap3A, %swap3A_36] : memref<2048x128xf32, #tpu.memory_space<vmem>>, vector<2048x128xf32>
    tpu.vector_store %arg7[%swap3A, %swap3A_36], %concatenate3A {strides = array<i32>} : memref<2048x128xf32, #tpu.memory_space<vmem>>, vector<2048x128xf32>,
    return
  }
  func.func @transform_0(%arg0: i32) -> (i32, i32, i32) {
    %c0_i32 = arith.constant 0 : i32
    %c0_i32_0 = arith.constant 0 : i32
    %c0_i32_1 = arith.constant 0 : i32
    return %c0_i32, %arg0, %c0_i32_0 : i32, i32, i32
  }
  func.func @transform_1(%arg0: i32) -> (i32, i32) {
    %c0_i32 = arith.constant 0 : i32
    %c0_i32_0 = arith.constant 0 : i32
    return %arg0, %c0_i32 : i32, i32
  }
  func.func @transform_2(%arg0: i32) -> (i32, i32) {
    %c0_i32 = arith.constant 0 : i32
    %c0_i32_0 = arith.constant 0 : i32
    return %arg0, %c0_i32 : i32, i32
  }
  func.func @transform_3(%arg0: i32) -> (i32, i32) {
    %c0_i32 = arith.constant 0 : i32
    %c0_i32_0 = arith.constant 0 : i32
    %c0_i32_1 = arith.constant 0 : i32
    return %c0_i32, %c0_i32_0 : i32, i32
  }
  func.func @transform_4(%arg0: i32) -> (i32, i32) {
    %c0_i32 = arith.constant 0 : i32
    %c0_i32_0 = arith.constant 0 : i32
    %c0_i32_1 = arith.constant 0 : i32
    return %c0_i32, %c0_i32_0 : i32, i32
  }
  func.func @transform_5(%arg0: i32) -> (i32, i32) {
    %c0_i32 = arith.constant 0 : i32
    %c0_i32_0 = arith.constant 0 : i32
    %c0_i32_1 = arith.constant 0 : i32
    return %c0_i32, %c0_i32_0 : i32, i32
  }
  func.func @transform_6(%arg0: i32) -> (i32, i32) {
    %c0_i32 = arith.constant 0 : i32
    %c0_i32_0 = arith.constant 0 : i32
    return %arg0, %c0_i32 : i32, i32
  }
}

module attributes {stable_mosaic.version = 14 : i64} {
  func.func @_final_body(%arg0: i32, %arg1: memref<2x2048x128xf32, #tpu.memory_space<vmem>>, %arg2: memref<2048x128xf32, #tpu.memory_space<vmem>>, %arg3: memref<2048x1xf32, #tpu.memory_space<vmem>>, %arg4: memref<1x64xf32, #tpu.memory_space<vmem>>, %arg5: memref<2048x64xf32, #tpu.memory_space<vmem>>) attributes {dimension_semantics = [#tpu.dimension_semantics<arbitrary>], iteration_bounds = array<i64: 5>, scalar_prefetch = 0 : i64, scratch_operands = 0 : i64, tpu.core_type = #tpu.core_type<tc>, window_params = [{transform_indices = @transform_0, window_bounds = array<i64: 2, 2048, 128>}, {transform_indices = @transform_1, window_bounds = array<i64: 2048, 128>}, {transform_indices = @transform_2, window_bounds = array<i64: 2048, 1>}, {pipeline_mode = #tpu.pipeline_mode<synchronous>, transform_indices = @transform_3, window_bounds = array<i64: 1, 64>}, {transform_indices = @transform_4, window_bounds = array<i64: 2048, 64>}]} {
    %get3A = arith.constant 0 : index
    %get3A_0 = arith.constant 0 : index
    %get3A_1 = vector.load %arg3[%get3A, %get3A_0] : memref<2048x1xf32, #tpu.memory_space<vmem>>, vector<2048x1xf32>
    %rsqrt3A = math.rsqrt %get3A_1 : vector<2048x1xf32>
    %get3A_2 = arith.constant 0 : index
    %get3A_3 = arith.constant 0 : index
    %get3A_4 = arith.constant 0 : index
    %get3A_5 = vector.load %arg1[%get3A_2, %get3A_3, %get3A_4] : memref<2x2048x128xf32, #tpu.memory_space<vmem>>, vector<1x2048x128xf32>
    %get3A_6 = vector.shape_cast %get3A_5 : vector<1x2048x128xf32> to vector<2048x128xf32>
    %get3A_7 = arith.constant 1 : index
    %get3A_8 = arith.constant 0 : index
    %get3A_9 = arith.constant 0 : index
    %get3A_10 = vector.load %arg1[%get3A_7, %get3A_8, %get3A_9] : memref<2x2048x128xf32, #tpu.memory_space<vmem>>, vector<1x2048x128xf32>
    %get3A_11 = vector.shape_cast %get3A_10 : vector<1x2048x128xf32> to vector<2048x128xf32>
    %add3A = arith.addf %get3A_6, %get3A_11 : vector<2048x128xf32>
    %get3A_12 = arith.constant 0 : index
    %get3A_13 = arith.constant 0 : index
    %get3A_14 = vector.load %arg2[%get3A_12, %get3A_13] : memref<2048x128xf32, #tpu.memory_space<vmem>>, vector<2048x128xf32>
    %add3A_15 = arith.addf %add3A, %get3A_14 : vector<2048x128xf32>
    %slice3A = vector.extract_strided_slice %add3A_15 {offsets = [0, 0], sizes = [2048, 64], strides = [1, 1]} : vector<2048x128xf32> to vector<2048x64xf32>
    %mul3A = vector.broadcast %rsqrt3A : vector<2048x1xf32> to vector<2048x64xf32>
    %mul3A_16 = arith.mulf %slice3A, %mul3A : vector<2048x64xf32>
    %get3A_17 = arith.constant 0 : index
    %get3A_18 = arith.constant 0 : index
    %get3A_19 = vector.load %arg4[%get3A_17, %get3A_18] : memref<1x64xf32, #tpu.memory_space<vmem>>, vector<1x64xf32>
    %add3A_20 = vector.broadcast %get3A_19 : vector<1x64xf32> to vector<2048x64xf32>
    %add3A_21 = arith.addf %mul3A_16, %add3A_20 : vector<2048x64xf32>
    %reduce_max3A = arith.constant dense<0xFF800000> : vector<2048xf32>
    %reduce_max3A_22 = vector.multi_reduction <maximumf>, %add3A_21, %reduce_max3A [1] : vector<2048x64xf32> to vector<2048xf32>
    %broadcast_in_dim3A = vector.shape_cast %reduce_max3A_22 : vector<2048xf32> to vector<2048x1xf32>
    %sub3A = vector.broadcast %broadcast_in_dim3A : vector<2048x1xf32> to vector<2048x64xf32>
    %sub3A_23 = arith.subf %add3A_21, %sub3A : vector<2048x64xf32>
    %exp3A = math.exp %sub3A_23 : vector<2048x64xf32>
    %reduce_sum3A = arith.constant dense<0.000000e+00> : vector<2048xf32>
    %reduce_sum3A_24 = vector.multi_reduction <add>, %exp3A, %reduce_sum3A [1] : vector<2048x64xf32> to vector<2048xf32>
    %broadcast_in_dim3A_25 = vector.shape_cast %reduce_sum3A_24 : vector<2048xf32> to vector<2048x1xf32>
    %sub3A_26 = vector.broadcast %broadcast_in_dim3A : vector<2048x1xf32> to vector<2048x64xf32>
    %sub3A_27 = arith.subf %add3A_21, %sub3A_26 : vector<2048x64xf32>
    %log3A = math.log %broadcast_in_dim3A_25 : vector<2048x1xf32>
    %sub3A_28 = vector.broadcast %log3A : vector<2048x1xf32> to vector<2048x64xf32>
    %sub3A_29 = arith.subf %sub3A_27, %sub3A_28 : vector<2048x64xf32>
    %swap3A = arith.constant 0 : index
    %swap3A_30 = arith.constant 0 : index
    %swap3A_31 = vector.load %arg5[%swap3A, %swap3A_30] : memref<2048x64xf32, #tpu.memory_space<vmem>>, vector<2048x64xf32>
    tpu.vector_store %arg5[%swap3A, %swap3A_30], %sub3A_29 {strides = array<i32>} : memref<2048x64xf32, #tpu.memory_space<vmem>>, vector<2048x64xf32>,
    return
  }
  func.func @transform_0(%arg0: i32) -> (i32, i32, i32) {
    %c0_i32 = arith.constant 0 : i32
    %c0_i32_0 = arith.constant 0 : i32
    %c0_i32_1 = arith.constant 0 : i32
    return %c0_i32, %arg0, %c0_i32_0 : i32, i32, i32
  }
  func.func @transform_1(%arg0: i32) -> (i32, i32) {
    %c0_i32 = arith.constant 0 : i32
    %c0_i32_0 = arith.constant 0 : i32
    return %arg0, %c0_i32 : i32, i32
  }
  func.func @transform_2(%arg0: i32) -> (i32, i32) {
    %c0_i32 = arith.constant 0 : i32
    %c0_i32_0 = arith.constant 0 : i32
    return %arg0, %c0_i32 : i32, i32
  }
  func.func @transform_3(%arg0: i32) -> (i32, i32) {
    %c0_i32 = arith.constant 0 : i32
    %c0_i32_0 = arith.constant 0 : i32
    %c0_i32_1 = arith.constant 0 : i32
    return %c0_i32, %c0_i32_0 : i32, i32
  }
  func.func @transform_4(%arg0: i32) -> (i32, i32) {
    %c0_i32 = arith.constant 0 : i32
    %c0_i32_0 = arith.constant 0 : i32
    return %arg0, %c0_i32 : i32, i32
  }
}

</mosaic_0001>

<sc_bundles>
// kernel: kernel.11.cloned.1.call-start
scs
__scs_entry_jumppad:
0x0: {  	(pc) =	sbr.rel $0x88, $3  }
0x1: {  	(tag) =	ssettag $0x0;
	lr =	simm.s32 $0x1  }
0x2: {  	[smem:$0x3F9B] =	sst lr;
	_ =	strace $0xD0000000  }
0x3: {  	_ = 	snop  }
0x4: {  	_ = 	snop  }
0x5: {  	_ = 	snop  }
0x6: {  	_ = 	snop  }
0x7: {  	_ = 	snop  }
__scs_overlays_trampoline_lowered:
0x8: {  	[smem:$0x3FAA] =	sst s0  }
0x9: {  	[smem:$0x3FAB] =	sst s1  }
0xa: {  	[smem:$0x3FAC] =	sst s2  }
0xb: {  	[smem:$0x3FAD] =	sst s3  }
0xc: {  	[smem:$0x3FAE] =	sst s4  }
0xd: {  	[smem:$0x3FAF] =	sst s5  }
0xe: {  	[smem:$0x3FB0] =	sst s6  }
0xf: {  	[smem:$0x3FB1] =	sst s7  }
0x10: {  	[smem:$0x3FB2] =	sst s8  }
0x11: {  	[smem:$0x3FB3] =	sst s9;
	s0 =	simm.s32 @!p0 $0x0  }
0x12: {  	s1 =	sld [smem:$0x3F99];
	s0 =	simm.s32 @p0 $0x1  }
0x13: {  	[smem:$0x3FB4] =	sst s0;
	s0 =	simm.s32 @!p1 $0x0  }
0x14: {  	s2 =	sld [smem:$0x3F98];
	s0 =	simm.s32 @p1 $0x1  }
0x15: {  	[smem:$0x3FB5] =	sst s0;
	s0 =	simm.s32 @!p2 $0x0  }
0x16: {  	s3 =	sld [smem:$0x3FDB];
	s0 =	simm.s32 @p2 $0x1  }
0x17: {  	s4 =	simm.s32 $0x1BF5;
	[smem:$0x3FB7] =	sst s0  }
0x18: {  	s0 =	sld [smem:$0x3F9A];
	_ =	swait.ge [sflag:s4], $0x0  }
0x19: {  	s7 =	sld [smem:$0x3F9B]  }
0x1a: {  	s8 =	sadd.s32 $0xFFFFE003, lr  }
0x1b: {  	s9 =	sadd.s32 $0xFFFFFEF7, lr;
	s5 =	simm.s32 $0xFFFFFFFF;
	p2 =	slt.u32 s8, $0xFFFFF086  }
0x1c: {  	p1 =	slt.u32 s9, $0xF7A;
	s5 =	simm.s32 @!p2 $0x0  }
0x1d: {  	s5 =	simm.s32 @p1 $0x1;
	p0 =	seq.s32 s7, s2  }
0x1e: {  	s7 =	smul.u32 @!p0 $0xF7A, s2;
	p2 =	seq.s32 @!p0 s5, $0x0  }
0x1f: {  	s9 =	smul.u32 $0xF7A, s1;
	s8 =	simm.s32 @!p0 $0x1BF5;
	p2 =	por !p2, p0  }
0x20: {  	[sflag:s8] =	ssyncset.s32 @!p0 $0xFFFFF086;
	s6 =	sadd.s32 @!p0 s3, s7;
	s7 =	simm.s32 @!p0 $0x108  }
0x21: {  	s3 =	sadd.s32 s3, s9;
	s6 =	sadd.s32 @!p0 $0x88, s6;
	s7 =	simm.s32 @p2 $0x1082  }
0x22: {  	[simem:s7], [sflag:s8] =	dma.local @!p0 [hbm:s6], $0xF7A  }
0x23: {  	s9 =	sor.u32 $0xD0000000, s2;
	s6 =	simm.s32 $0x108;
	_ =	swait.ge @!p0 [sflag:s8], $0x0  }
0x24: {  	s3 =	sadd.s32 $0x88, s3;
	s6 =	simm.s32 @!p1 $0x1082;
	[sflag:s4] =	ssyncset.s32 $0xFFFFF086  }
0x25: {  	[simem:s6], [sflag:s4] =	dma.local [hbm:s3], $0xF7A  }
0x26: {  	[smem:$0x3F9B] =	sst s1;
	(tag) =	ssettag s2;
	_ =	strace s9  }
0x27: {  	s1 =	sld [smem:$0x3FAB]  }
0x28: {  	s2 =	sld [smem:$0x3FAC]  }
0x29: {  	s4 =	sld [smem:$0x3FAE]  }
0x2a: {  	p0 =	seq.s32 s5, $0x0;
	s5 =	sld [smem:$0x3FAF]  }
0x2b: {  	s6 =	sld [smem:$0x3FB0]  }
0x2c: {  	s7 =	sld [smem:$0x3FB1]  }
0x2d: {  	s3 =	simm.s32 $0x108;
	s8 =	sld [smem:$0x3FB2]  }
0x2e: {  	s3 =	simm.s32 @!p0 $0x1082;
	s9 =	sld [smem:$0x3FB3]  }
0x2f: {  	lr =	sadd.s32 s0, s3;
	s0 =	sld [smem:$0x3FAA]  }
0x30: {  	s3 =	sld [smem:$0x3FAD]  }
0x31: {  	[smem:$0x3FB6] =	sst s10  }
0x32: {  	s10 =	sld [smem:$0x3FB4];
	_ =	sdelay $0x3  }
0x33: {  	p0 =	seq.s32 s10, $0x1;
	s10 =	sld [smem:$0x3FB6];
	_ =	sdelay $0x3  }
0x34: {  	[smem:$0x3FB6] =	sst s10  }
0x35: {  	s10 =	sld [smem:$0x3FB5];
	_ =	sdelay $0x3  }
0x36: {  	p1 =	seq.s32 s10, $0x1;
	s10 =	sld [smem:$0x3FB6];
	_ =	sdelay $0x3  }
0x37: {  	[smem:$0x3FB6] =	sst s10  }
0x38: {  	s10 =	sld [smem:$0x3FB7]  }
0x39: {  	_ = 	snop;
	(pc) =	sbr.ind lr, $3  }
0x3a: {  	_ = 	snop  }
0x3b: {  	_ = 	snop  }
0x3c: {  	p2 =	seq.s32 s10, $0x1;
	s10 =	sld [smem:$0x3FB6]  }
0x3d: {  	_ =	shalt  }
0x3e: {  	_ =	shalt  }
0x3f: {  	_ =	shalt  }
0x40: {  	_ =	shalt  }
0x41: {  	_ =	shalt  }
0x42: {  	_ =	shalt  }
0x43: {  	_ =	shalt  }
0x44: {  	_ =	shalt  }
0x45: {  	_ =	shalt  }
0x46: {  	_ =	shalt  }
0x47: {  	_ =	shalt  }
0x48: {  	_ =	shalt  }
0x49: {  	_ =	shalt  }
0x4a: {  	_ =	shalt  }
0x4b: {  	_ =	shalt  }
0x4c: {  	_ =	shalt  }
0x4d: {  	_ =	shalt  }
0x4e: {  	_ =	shalt  }
0x4f: {  	_ =	shalt  }
0x50: {  	_ =	shalt  }
0x51: {  	_ =	shalt  }
0x52: {  	_ =	shalt  }
0x53: {  	_ =	shalt  }
0x54: {  	_ =	shalt  }
0x55: {  	_ =	shalt  }
0x56: {  	_ =	shalt  }
0x57: {  	_ =	shalt  }
0x58: {  	_ =	shalt  }
0x59: {  	_ =	shalt  }
0x5a: {  	_ =	shalt  }
0x5b: {  	_ =	shalt  }
0x5c: {  	_ =	shalt  }
0x5d: {  	_ =	shalt  }
0x5e: {  	_ =	shalt  }
0x5f: {  	_ =	shalt  }
0x60: {  	_ =	shalt  }
0x61: {  	_ =	shalt  }
0x62: {  	_ =	shalt  }
0x63: {  	_ =	shalt  }
0x64: {  	_ =	shalt  }
0x65: {  	_ =	shalt  }
0x66: {  	_ =	shalt  }
0x67: {  	_ =	shalt  }
0x68: {  	_ =	shalt  }
0x69: {  	_ =	shalt  }
0x6a: {  	_ =	shalt  }
0x6b: {  	_ =	shalt  }
0x6c: {  	_ =	shalt  }
0x6d: {  	_ =	shalt  }
0x6e: {  	_ =	shalt  }
0x6f: {  	_ =	shalt  }
0x70: {  	_ =	shalt  }
0x71: {  	_ =	shalt  }
0x72: {  	_ =	shalt  }
0x73: {  	_ =	shalt  }
0x74: {  	_ =	shalt  }
0x75: {  	_ =	shalt  }
0x76: {  	_ =	shalt  }
0x77: {  	_ =	shalt  }
0x78: {  	_ =	shalt  }
0x79: {  	_ =	shalt  }
0x7a: {  	_ =	shalt  }
0x7b: {  	_ =	shalt  }
0x7c: {  	_ =	shalt  }
0x7d: {  	_ =	shalt  }
0x7e: {  	_ =	shalt  }
0x7f: {  	_ =	shalt  }
0x80: {  	_ =	shalt  }
0x81: {  	_ =	shalt  }
0x82: {  	_ =	shalt  }
0x83: {  	_ =	shalt  }
0x84: {  	_ =	shalt  }
0x85: {  	_ =	shalt  }
0x86: {  	_ =	shalt  }
0x87: {  	_ =	shalt  }
.Lfunc_end0:
.L_simem_size_0:
called_computation.1_lowered:
.L_overlay_start_0:
0x88: {  	s2 =	sld [smem:$0x3FD9]  }
0x89: {  	s3 =	sld [smem:$0x3FFE];
	_ =	sdelay $0x1  }
0x8a: {  	s1 =	srdreg.scid  }
0x8b: {  	s0 =	sand.u32 $0x1, s1  }
0x8c: {  	s17 =	sshll.u32 s0, $0xA;
	s2 =	sadd.s32 s3, s2  }
0x8d: {  	s2 =	sadd.s32 s2, s17  }
0x8e: {  	[smem:$0x3FC2] =	sst s2  }
0x8f: {  	_ = 	snop  }
0x90: {  	s2 =	sld [smem:$0x3FD0];
	(tm) =	ssettm $0x1  }
0x91: {  	s18 =	sld [smem:$0x3FFB];
	_ =	sdelay $0x3  }
0x92: {  	_ =	strace s18  }
0x93: {  	s3 =	sld [smem:$0x3FFC];
	_ =	sdelay $0x3  }
0x94: {  	_ =	strace s3  }
0x95: {  	s3 =	sld [smem:$0x3FFD];
	_ =	sdelay $0x3  }
0x96: {  	_ =	strace s3  }
0x97: {  	_ =	strace $0x8FFFFFFF  }
0x98: {  	s19 =	sld [smem:$0x3FDB];
	_ =	sdelay $0x1  }
0x99: {  	s4 =	simm.s32 $_scs_section_size  }
0x9a: {  	s5 =	simm.s32 $_size__tile_overlayer_lowered;
	s6 =	simm.s32 $_tile_overlayer_lowered  }
0x9b: {  	s22 =	simm.s32 $0x1BFF;
	s21 =	sshll.u32 s6, $0x1;
	s3 =	sadd.s32 s4, s19  }
0x9c: {  	s7 =	simm.s32 $0x0;
	s20 =	sshll.u32 s5, $0x1;
	s5 =	sadd.s32 s21, s3  }
0x9d: {  	[timem:s7], [sflag:s22] =	dma.local [hbm:s5], s20  }
0x9e: {  	_ =	swait.ge [sflag:s22], s20  }
0x9f: {  	s4 =	ssub.s32 $0x0, s20;
	[sflag:s22] =	ssyncset.done $0x0  }
0xa0: {  	[sflag:s22] =	ssyncadd.s32 s4;
	_ =	sdelay $0x1  }
0xa1: {  	s23 =	simm.s32 $0x1B8B  }
0xa2: {  	_ =	swait.ge [sflag:s23], $0x1  }
0xa3: {  	[sflag:s23] =	ssyncset.done $0x0  }
0xa4: {  	s25 =	simm.s32 $0x1B8E;
	s24 =	sld [smem:$0x3FFE];
	[sflag:s23] =	ssyncadd.s32 $0xFFFFFFFF  }
0xa5: {  	s26 =	simm.s32 $execute0_lowered;
	[smem:$0x3FD2] =	sst s25  }
0xa6: {  	s5 =	sshll.u32 s26, $0x1;
	_ =	strace $0x80000049;
	[dreg:$0x1] =	wrdreg $0xFFFFFFFF  }
0xa7: {  	s28 =	simm.s32 $_size_execute0_lowered;
	s3 =	sadd.s32 s3, s5;
	[dreg:$0x0] =	wrdreg $0x0  }
0xa8: {  	s5 =	sshll.u32 s28, $0x1;
	[dreg:$0x2] =	wrdreg s3  }
0xa9: {  	[dreg:$0x3] =	wrdreg s5  }
0xaa: {  	[dreg:$0x4] =	wrdreg $0xC0  }
0xab: {  	_ =	task [dreg:s7], $0x5FFFF  }
0xac: {  	[dreg:$0x1] =	wrdreg $0xFFFFFFFF  }
0xad: {  	[dreg:$0x0] =	wrdreg $0x60  }
0xae: {  	[dreg:$0x2] =	wrdreg s24  }
0xaf: {  	[dreg:$0x3] =	wrdreg s2  }
0xb0: {  	[dreg:$0x4] =	wrdreg $0x69000  }
0xb1: {  	[dreg:$0x5] =	wrdreg $0x9  }
0xb2: {  	_ =	task.clear_ibuf [dreg:s7], $0x6FFFF;
	_ =	strace $0x90000049  }
0xb3: {  	s29 =	simm.s32 $0x9;
	_ =	strace $0x8000004B  }
0xb4: {  	_ =	swait.ge [sflag:s29], $0x1  }
0xb5: {  	[sflag:s29] =	ssyncadd.s32 $0xFFFFFFFF  }
0xb6: {  	_ =	strace $0x9000004B  }
0xb7: {  	_ =	sfence  }
0xb8: {  	s30 =	sld [smem:$0x0];
	_ =	sdelay $0x2  }
0xb9: {  	s31 =	sshll.u32 s1, $0xD;
	s1 =	sshrl.u32 s1, $0x2  }
0xba: {  	s3 =	sand.u32 $0x4000, s31;
	s1 =	sadd.s32 s1, s30  }
0xbb: {  	s0 =	sor.u32 s3, s0;
	s1 =	sshll.u32 s1, $0x11  }
0xbc: {  	s0 =	sor.u32 s1, s0  }
0xbd: {  	s0 =	sadd.s32 $0x8F2B, s0  }
0xbe: {  	[sflag:s0] =	ssyncadd.remote.s32 $0x1  }
0xbf: {  	_ =	sfence.sel $0xFFFF  }
0xc0: {  	[dreg:$0x0] =	wrdreg $0xFFFFFFFF;
	(pc) =	sbr.abs _section_cstart, $3  }
0xc1: {  	[dreg:$0x1] =	wrdreg $0xFFFFFFFF  }
0xc2: {  	_ =	task.clear_ibuf [dreg:s7], $0x2FFFF;
	_ =	strace $0x9FFFFFFF  }
0xc3: {  	(tm) =	ssettm $0x7FFFFFFF  }
tec
execute0_lowered:
.L_overlay_start_1:
0x0: {  	(tag) =	ssettag $0x1  }
0x1: {  	s6 =	rddreg [dreg:$0x0]  }
0x2: {  	s2 =	rddreg [dreg:$0x1]  }
0x3: {  	s0 =	srdreg.scid;
	s3 =	rddreg [dreg:$0x2]  }
0x4: {  	s1 =	stileid.u32;
	s4 =	simm.s32 $0x0;
	s21 =	simm.s32 $0x80  }
0x5: {  	s22 =	simm.s32 $0x50;
	s23 =	simm.s32 $0x100;
	s8 =	smul.u32 $0x2710, s1  }
0x6: {  	s24 =	simm.s32 $0x1;
	s25 =	simm.s32 $0x0;
	s9 =	smul.u32 $0x50000, s1  }
0x7: {  	s7 =	sand.u32 $0x1, s0;
	s0 =	rddreg [dreg:$0x3];
	s10 =	smul.u32 $0x14000, s1  }
0x8: {  	[smem:$0x7FF] =	sst s4;
	s15 =	sadd.s32 $0x3D800, s6;
	s5 =	smul.u32 $0x27100, s7  }
0x9: {  	_ =	strace $0x8000004A;
	s30 =	ssub.s32 $0x2, s7;
	s17 =	smul.u32 $0x140000, s7  }
0xa: {  	s31 =	sshrl.u32 s30, $0x1;
	s9 =	sshrl.u32 s9, $0x2;
	s11 =	sadd.s32 $0x4000, s10  }
0xb: {  	s13 =	sadd.s32 $0x8000, s10;
	s14 =	sadd.s32 $0xC000, s10;
	s19 =	sadd.s32 $0x10000, s10  }
0xc: {  	s8 =	sadd.s32 s8, s5;
	s5 =	sadd.s32 $0x15800, s6;
	s16 =	ssub.s32 s30, s31  }
0xd: {  	s7 =	sadd.s32 s11, s3;
	s12 =	sadd.s32 s10, s17;
	s11 =	sadd.s32 s17, s11  }
0xe: {  	s10 =	sadd.s32 s19, s3;
	s8 =	sshrl.u32 s8, $0x3;
	s12 =	sshrl.u32 s12, $0x3  }
0xf: {  	s20 =	sshrl.u32 s11, $0x3;
	s16 =	smax.u32 s16, $0x1;
	s18 =	sadd.s32 s8, s6  }
0x10: {  	s6 =	sadd.s32 s9, s3;
	s8 =	sadd.s32 s13, s3;
	s9 =	sadd.s32 s14, s3  }
0x11: {  	s11 =	sadd.s32 s15, s12;
	s12 =	sadd.s32 s15, s20;
	s13 =	sadd.s32 s17, s13  }
0x12: {  	s14 =	sadd.s32 s17, s14;
	s17 =	sadd.s32 s17, s19;
	s19 =	simm.s32 $0x2900  }
0x13: {  	s20 =	simm.s32 $0x2;
	s13 =	sshrl.u32 s13, $0x3;
	s14 =	sshrl.u32 s14, $0x3  }
0x14: {  	s17 =	sshrl.u32 s17, $0x3;
	s13 =	sadd.s32 s15, s13;
	s14 =	sadd.s32 s15, s14  }
0x15: {  	s15 =	sadd.s32 s15, s17;
	s17 =	sadd.s32 $0x1C00, s18;
	s18 =	sadd.s32 $0xBA00, s18  }
.LBB2_1:
0x16: {  	[tilespmem:s19], [sflag:$0x2] =	stream.linear.gather [hbm4b:s2+s4], $0x4000, $0x38;
	[tilespmem:$0x1A900] =	vst v63  }
0x17: {  	_ =	swait.ge [sflag:s20], $0x4000  }
0x18: {  	[sflag:s20] =	ssyncset.done $0x0  }
0x19: {  	[sflag:s20] =	ssyncadd.s32 $0xFFFFC000  }
0x1a: {  	[spmem:s6] =	stream.linear.scatter [tilespmem:s19], [sflag:$0x2], $0x4000, $0x38;
	[tilespmem:$0x1A900] =	vst v63  }
0x1b: {  	_ =	swait.ge [sflag:s20], $0x4000  }
0x1c: {  	[sflag:s20] =	ssyncset.done $0x0  }
0x1d: {  	[sflag:s20] =	ssyncadd.s32 $0xFFFFC000  }
0x1e: {  	[spmem:s7] =	stream.linear.scatter [tilespmem:s19], [sflag:$0x2], $0x4000, $0x38;
	[tilespmem:$0x1A900] =	vst v63  }
0x1f: {  	_ =	swait.ge [sflag:s20], $0x4000  }
0x20: {  	[sflag:s20] =	ssyncset.done $0x0  }
0x21: {  	[sflag:s20] =	ssyncadd.s32 $0xFFFFC000  }
0x22: {  	[spmem:s8] =	stream.linear.scatter [tilespmem:s19], [sflag:$0x2], $0x4000, $0x38;
	[tilespmem:$0x1A900] =	vst v63  }
0x23: {  	_ =	swait.ge [sflag:s20], $0x4000  }
0x24: {  	[sflag:s20] =	ssyncset.done $0x0  }
0x25: {  	[sflag:s20] =	ssyncadd.s32 $0xFFFFC000  }
0x26: {  	[spmem:s9] =	stream.linear.scatter [tilespmem:s19], [sflag:$0x2], $0x4000, $0x38;
	[tilespmem:$0x1A900] =	vst v63  }
0x27: {  	_ =	swait.ge [sflag:s20], $0x4000  }
0x28: {  	[sflag:s20] =	ssyncset.done $0x0  }
0x29: {  	[sflag:s20] =	ssyncadd.s32 $0xFFFFC000  }
0x2a: {  	[spmem:s10] =	stream.linear.scatter [tilespmem:s19], [sflag:$0x2], $0x4000, $0x38;
	[tilespmem:$0x1A900] =	vst v63  }
0x2b: {  	_ =	swait.ge [sflag:s20], $0x4000  }
0x2c: {  	[sflag:s20] =	ssyncset.done $0x0  }
0x2d: {  	[sflag:s20] =	ssyncadd.s32 $0xFFFFC000  }
0x2e: {  	s26 =	sadd.s32 $0x0, s18;
	[bflag:$0x0] =	sbarrier.arrive $0xFFFF  }
0x2f: {  	[tilespmem:s4], [sflag:$0x2] =	stream.linear.gather [hbm4b:s26+s4], $0x50, $0x38;
	[tilespmem:$0x1A900] =	vst v63  }
0x30: {  	_ =	swait.ge [sflag:s20], $0x50  }
0x31: {  	[sflag:s20] =	ssyncset.done $0x0  }
0x32: {  	s31 =	sadd.s32 $0x0, s17;
	[sflag:s20] =	ssyncadd.s32 $0xFFFFFFB0  }
0x33: {  	[tilespmem:s21], [sflag:$0x2] =	stream.linear.gather [hbm4b:s31+s4], $0x50, $0x38;
	[tilespmem:$0x1A900] =	vst v63  }
0x34: {  	_ =	swait.ge [sflag:s20], $0x50  }
0x35: {  	[sflag:s20] =	ssyncset.done $0x0  }
0x36: {  	[sflag:s20] =	ssyncadd.s32 $0xFFFFFFB0  }
0x37: {  	[tilespmem:s23], [sflag:$0x1] =	stream.indirect.gather [hbm4b:s5+s22], $0x80, s4, s22, $0xb8;
	[tilespmem:$0x1A900] =	vst v63  }
0x38: {  	_ =	swait.ge [sflag:s24], $0x2800  }
0x39: {  	[sflag:s24] =	ssyncset.done $0x0  }
0x3a: {  	[sflag:s24] =	ssyncadd.s32 $0xFFFFD800  }
0x3b: {  	[spmem:s3] =	stream.indirect.scatter.add.f32 [tilespmem:s23], [sflag:$0x2], $0x80, s21, s22, $0xb8;
	[tilespmem:$0x1A900] =	vst v63  }
0x3c: {  	_ =	swait.ge [sflag:s20], $0x2800  }
0x3d: {  	s28 =	simm.s32 $0x14;
	s26 =	simm.s32 $0xA;
	[sflag:s20] =	ssyncset.done $0x0  }
.LBB2_2:
0x3e: {  	s29 =	sadd.s32 s26, s18  }
0x3f: {  	[sflag:s20] =	ssyncadd.s32 $0xFFFFD800;
	s30 =	smov.u32 s28;
	s31 =	sadd.s32 $0xA, s28  }
0x40: {  	[tilespmem:s4], [sflag:$0x2] =	stream.linear.gather [hbm4b:s29+s4], $0x50, $0x38;
	[tilespmem:$0x1A900] =	vst v63  }
0x41: {  	p0 =	sne.s32 s28, $0x4D8;
	_ =	swait.ge [sflag:s20], $0x50  }
0x42: {  	[sflag:s20] =	ssyncset.done $0x0  }
0x43: {  	s28 =	sadd.s32 s26, s17;
	s26 =	smov.u32 s30;
	[sflag:s20] =	ssyncadd.s32 $0xFFFFFFB0  }
0x44: {  	[tilespmem:s21], [sflag:$0x2] =	stream.linear.gather [hbm4b:s28+s4], $0x50, $0x38;
	[tilespmem:$0x1A900] =	vst v63  }
0x45: {  	_ =	swait.ge [sflag:s20], $0x50  }
0x46: {  	[sflag:s20] =	ssyncset.done $0x0  }
0x47: {  	[sflag:s20] =	ssyncadd.s32 $0xFFFFFFB0  }
0x48: {  	[tilespmem:s23], [sflag:$0x1] =	stream.indirect.gather [hbm4b:s5+s22], $0x80, s4, s22, $0xb8;
	[tilespmem:$0x1A900] =	vst v63  }
0x49: {  	_ =	swait.ge [sflag:s24], $0x2800  }
.Ltmp0:
0x4a: {  	[sflag:s24] =	ssyncset.done $0x0;
	(pc) =	sbr.rel @p0 .LBB2_2-.Ltmp0, $4  }
0x4b: {  	[sflag:s24] =	ssyncadd.s32 $0xFFFFD800  }
0x4c: {  	[spmem:s3] =	stream.indirect.scatter.add.f32 [tilespmem:s23], [sflag:$0x2], $0x80, s21, s22, $0xb8;
	[tilespmem:$0x1A900] =	vst v63  }
0x4d: {  	_ =	swait.ge [sflag:s20], $0x2800  }
0x4e: {  	s28 =	smov.u32 s31;
	[sflag:s20] =	ssyncset.done $0x0  }
0x4f: {  	s28 =	sadd.s32 s26, s18;
	[sflag:s20] =	ssyncadd.s32 $0xFFFFD800  }
0x50: {  	[tilespmem:s4], [sflag:$0x2] =	stream.linear.gather [hbm4b:s28+s4], $0x50, $0x38;
	[tilespmem:$0x1A900] =	vst v63  }
0x51: {  	_ =	swait.ge [sflag:s20], $0x50  }
0x52: {  	[sflag:s20] =	ssyncset.done $0x0  }
0x53: {  	s31 =	sadd.s32 s26, s17;
	[sflag:s20] =	ssyncadd.s32 $0xFFFFFFB0  }
0x54: {  	[tilespmem:s21], [sflag:$0x2] =	stream.linear.gather [hbm4b:s31+s4], $0x50, $0x38;
	[tilespmem:$0x1A900] =	vst v63  }
0x55: {  	_ =	swait.ge [sflag:s20], $0x50  }
0x56: {  	[sflag:s20] =	ssyncset.done $0x0  }
0x57: {  	[sflag:s20] =	ssyncadd.s32 $0xFFFFFFB0  }
0x58: {  	[tilespmem:s23], [sflag:$0x1] =	stream.indirect.gather [hbm4b:s5+s22], $0x80, s4, s22, $0xb8;
	[tilespmem:$0x1A900] =	vst v63  }
0x59: {  	_ =	swait.ge [sflag:s24], $0x2800  }
0x5a: {  	[sflag:s24] =	ssyncset.done $0x0  }
0x5b: {  	[sflag:s24] =	ssyncadd.s32 $0xFFFFD800  }
0x5c: {  	[spmem:s3] =	stream.indirect.scatter.add.f32 [tilespmem:s23], [sflag:$0x2], $0x80, s21, s22, $0xb8;
	[tilespmem:$0x1A900] =	vst v63  }
0x5d: {  	_ =	swait.ge [sflag:s20], $0x2800  }
0x5e: {  	[sflag:s20] =	ssyncset.done $0x0  }
0x5f: {  	[sflag:s20] =	ssyncadd.s32 $0xFFFFD800  }
0x60: {  	[bflag:$0x0] =	sbarrier.arrive $0xFFFF  }
0x61: {  	[tilespmem:s19], [sflag:$0x2] =	stream.linear.gather [spmem:s6], $0x4000, $0x38;
	[tilespmem:$0x1A900] =	vst v63  }
0x62: {  	_ =	swait.ge [sflag:s20], $0x4000  }
0x63: {  	[sflag:s20] =	ssyncset.done $0x0  }
0x64: {  	[sflag:s20] =	ssyncadd.s32 $0xFFFFC000  }
0x65: {  	[hbm4b:s11+s4] =	stream.linear.scatter [tilespmem:s19], [sflag:$0x2], $0x4000, $0x38;
	[tilespmem:$0x1A900] =	vst v63  }
0x66: {  	_ =	swait.ge [sflag:s20], $0x4000  }
0x67: {  	[sflag:s20] =	ssyncset.done $0x0  }
0x68: {  	[sflag:s20] =	ssyncadd.s32 $0xFFFFC000  }
0x69: {  	[tilespmem:s19], [sflag:$0x2] =	stream.linear.gather [spmem:s7], $0x4000, $0x38;
	[tilespmem:$0x1A900] =	vst v63  }
0x6a: {  	_ =	swait.ge [sflag:s20], $0x4000  }
0x6b: {  	[sflag:s20] =	ssyncset.done $0x0  }
0x6c: {  	[sflag:s20] =	ssyncadd.s32 $0xFFFFC000  }
0x6d: {  	[hbm4b:s12+s4] =	stream.linear.scatter [tilespmem:s19], [sflag:$0x2], $0x4000, $0x38;
	[tilespmem:$0x1A900] =	vst v63  }
0x6e: {  	_ =	swait.ge [sflag:s20], $0x4000  }
0x6f: {  	[sflag:s20] =	ssyncset.done $0x0  }
0x70: {  	[sflag:s20] =	ssyncadd.s32 $0xFFFFC000  }
0x71: {  	[tilespmem:s19], [sflag:$0x2] =	stream.linear.gather [spmem:s8], $0x4000, $0x38;
	[tilespmem:$0x1A900] =	vst v63  }
0x72: {  	_ =	swait.ge [sflag:s20], $0x4000  }
0x73: {  	[sflag:s20] =	ssyncset.done $0x0  }
0x74: {  	[sflag:s20] =	ssyncadd.s32 $0xFFFFC000  }
0x75: {  	[hbm4b:s13+s4] =	stream.linear.scatter [tilespmem:s19], [sflag:$0x2], $0x4000, $0x38;
	[tilespmem:$0x1A900] =	vst v63  }
0x76: {  	_ =	swait.ge [sflag:s20], $0x4000  }
0x77: {  	[sflag:s20] =	ssyncset.done $0x0  }
0x78: {  	[sflag:s20] =	ssyncadd.s32 $0xFFFFC000  }
0x79: {  	[tilespmem:s19], [sflag:$0x2] =	stream.linear.gather [spmem:s9], $0x4000, $0x38;
	[tilespmem:$0x1A900] =	vst v63  }
0x7a: {  	_ =	swait.ge [sflag:s20], $0x4000  }
0x7b: {  	[sflag:s20] =	ssyncset.done $0x0  }
0x7c: {  	[sflag:s20] =	ssyncadd.s32 $0xFFFFC000  }
0x7d: {  	[hbm4b:s14+s4] =	stream.linear.scatter [tilespmem:s19], [sflag:$0x2], $0x4000, $0x38;
	[tilespmem:$0x1A900] =	vst v63  }
0x7e: {  	_ =	swait.ge [sflag:s20], $0x4000  }
0x7f: {  	[sflag:s20] =	ssyncset.done $0x0  }
0x80: {  	[sflag:s20] =	ssyncadd.s32 $0xFFFFC000  }
0x81: {  	[tilespmem:s19], [sflag:$0x2] =	stream.linear.gather [spmem:s10], $0x4000, $0x38;
	[tilespmem:$0x1A900] =	vst v63  }
0x82: {  	s25 =	sadd.s32 $0x1, s25;
	_ =	swait.ge [sflag:s20], $0x4000  }
0x83: {  	p0 =	sne.s32 s25, s16;
	[sflag:s20] =	ssyncset.done $0x0  }
.Ltmp1:
0x84: {  	[sflag:s20] =	ssyncadd.s32 $0xFFFFC000;
	(pc) =	sbr.rel @p0 .LBB2_1-.Ltmp1, $4  }
0x85: {  	[hbm4b:s15+s4] =	stream.linear.scatter [tilespmem:s19], [sflag:$0x2], $0x4000, $0x38;
	[tilespmem:$0x1A900] =	vst v63  }
0x86: {  	_ =	swait.ge [sflag:s20], $0x4000  }
0x87: {  	[sflag:s20] =	ssyncset.done $0x0  }
0x88: {  	[sflag:s20] =	ssyncadd.s32 $0xFFFFC000  }
0x89: {  	_ =	sfence.sel $0x180000  }
0x8a: {  	[bflag:$0x0] =	sbarrier.arrive $0xFFFF  }
0x8b: {  	p0 =	sne.s32 s1, $0x0;
	_ =	strace $0x9000004A  }
0x8c: {  	s0 =	sadd.s32 @!p0 $0x100000, s0;
	[bflag:$0x2] =	sbarrier.arrive $0xFFFF  }
0x8d: {  	[sflag:s0] =	ssyncadd.tile.s32 @!p0 $0x1;
	_ =	shalt  }
.Lfunc_end2:
_tile_overlayer_lowered:
.L_overlay_start_2:
0x8e: {  	(tag) =	ssettag $0x2  }
0x8f: {  	s0 =	rddreg [dreg:$0x0];
	s2 =	stileid.u32  }
0x90: {  	s1 =	rddreg [dreg:$0x1];
	p0 =	sne.s32 s2, $0x0  }
0x91: {  	s3 =	rddreg [dreg:$0x2];
	[bflag:$0x3] =	sbarrier.arrive $0xFFFF;
	s2 =	simm.s32 @!p0 $0x1C02  }
0x92: {  	[timem:s3], [sflag:s2] =	dma.local @!p0 [hbm:s0], s1  }
0x93: {  	s0 =	simm.s32 @!p0 $0x2  }
0x94: {  	_ =	swait.ge @!p0 [sflag:s0], s1  }
0x95: {  	s1 =	ssub.s32 @!p0 $0x0, s1;
	[sflag:s0] =	ssyncset.done @!p0 $0x0  }
0x96: {  	[sflag:s0] =	ssyncadd.s32 @!p0 s1  }
0x97: {  	[bflag:$0x3] =	sbarrier.arrive $0xFFFF  }
0x98: {  	_ =	shalt  }

// kernel: kernel.14.cloned.1.call-start
scs
__scs_entry_jumppad:
0x0: {  	(pc) =	sbr.rel $0x88, $3  }
0x1: {  	(tag) =	ssettag $0x0;
	lr =	simm.s32 $0x1  }
0x2: {  	[smem:$0x3F9B] =	sst lr;
	_ =	strace $0xD0000000  }
0x3: {  	_ = 	snop  }
0x4: {  	_ = 	snop  }
0x5: {  	_ = 	snop  }
0x6: {  	_ = 	snop  }
0x7: {  	_ = 	snop  }
__scs_overlays_trampoline_lowered:
0x8: {  	[smem:$0x3FAA] =	sst s0  }
0x9: {  	[smem:$0x3FAB] =	sst s1  }
0xa: {  	[smem:$0x3FAC] =	sst s2  }
0xb: {  	[smem:$0x3FAD] =	sst s3  }
0xc: {  	[smem:$0x3FAE] =	sst s4  }
0xd: {  	[smem:$0x3FAF] =	sst s5  }
0xe: {  	[smem:$0x3FB0] =	sst s6  }
0xf: {  	[smem:$0x3FB1] =	sst s7  }
0x10: {  	[smem:$0x3FB2] =	sst s8  }
0x11: {  	[smem:$0x3FB3] =	sst s9;
	s0 =	simm.s32 @!p0 $0x0  }
0x12: {  	s1 =	sld [smem:$0x3F99];
	s0 =	simm.s32 @p0 $0x1  }
0x13: {  	[smem:$0x3FB4] =	sst s0;
	s0 =	simm.s32 @!p1 $0x0  }
0x14: {  	s2 =	sld [smem:$0x3F98];
	s0 =	simm.s32 @p1 $0x1  }
0x15: {  	[smem:$0x3FB5] =	sst s0;
	s0 =	simm.s32 @!p2 $0x0  }
0x16: {  	s3 =	sld [smem:$0x3FDB];
	s0 =	simm.s32 @p2 $0x1  }
0x17: {  	s4 =	simm.s32 $0x1BF5;
	[smem:$0x3FB7] =	sst s0  }
0x18: {  	s0 =	sld [smem:$0x3F9A];
	_ =	swait.ge [sflag:s4], $0x0  }
0x19: {  	s7 =	sld [smem:$0x3F9B]  }
0x1a: {  	s8 =	sadd.s32 $0xFFFFE003, lr  }
0x1b: {  	s9 =	sadd.s32 $0xFFFFFEF7, lr;
	s5 =	simm.s32 $0xFFFFFFFF;
	p2 =	slt.u32 s8, $0xFFFFF086  }
0x1c: {  	p1 =	slt.u32 s9, $0xF7A;
	s5 =	simm.s32 @!p2 $0x0  }
0x1d: {  	s5 =	simm.s32 @p1 $0x1;
	p0 =	seq.s32 s7, s2  }
0x1e: {  	s7 =	smul.u32 @!p0 $0xF7A, s2;
	p2 =	seq.s32 @!p0 s5, $0x0  }
0x1f: {  	s9 =	smul.u32 $0xF7A, s1;
	s8 =	simm.s32 @!p0 $0x1BF5;
	p2 =	por !p2, p0  }
0x20: {  	[sflag:s8] =	ssyncset.s32 @!p0 $0xFFFFF086;
	s6 =	sadd.s32 @!p0 s3, s7;
	s7 =	simm.s32 @!p0 $0x108  }
0x21: {  	s3 =	sadd.s32 s3, s9;
	s6 =	sadd.s32 @!p0 $0x88, s6;
	s7 =	simm.s32 @p2 $0x1082  }
0x22: {  	[simem:s7], [sflag:s8] =	dma.local @!p0 [hbm:s6], $0xF7A  }
0x23: {  	s9 =	sor.u32 $0xD0000000, s2;
	s6 =	simm.s32 $0x108;
	_ =	swait.ge @!p0 [sflag:s8], $0x0  }
0x24: {  	s3 =	sadd.s32 $0x88, s3;
	s6 =	simm.s32 @!p1 $0x1082;
	[sflag:s4] =	ssyncset.s32 $0xFFFFF086  }
0x25: {  	[simem:s6], [sflag:s4] =	dma.local [hbm:s3], $0xF7A  }
0x26: {  	[smem:$0x3F9B] =	sst s1;
	(tag) =	ssettag s2;
	_ =	strace s9  }
0x27: {  	s1 =	sld [smem:$0x3FAB]  }
0x28: {  	s2 =	sld [smem:$0x3FAC]  }
0x29: {  	s4 =	sld [smem:$0x3FAE]  }
0x2a: {  	p0 =	seq.s32 s5, $0x0;
	s5 =	sld [smem:$0x3FAF]  }
0x2b: {  	s6 =	sld [smem:$0x3FB0]  }
0x2c: {  	s7 =	sld [smem:$0x3FB1]  }
0x2d: {  	s3 =	simm.s32 $0x108;
	s8 =	sld [smem:$0x3FB2]  }
0x2e: {  	s3 =	simm.s32 @!p0 $0x1082;
	s9 =	sld [smem:$0x3FB3]  }
0x2f: {  	lr =	sadd.s32 s0, s3;
	s0 =	sld [smem:$0x3FAA]  }
0x30: {  	s3 =	sld [smem:$0x3FAD]  }
0x31: {  	[smem:$0x3FB6] =	sst s10  }
0x32: {  	s10 =	sld [smem:$0x3FB4];
	_ =	sdelay $0x3  }
0x33: {  	p0 =	seq.s32 s10, $0x1;
	s10 =	sld [smem:$0x3FB6];
	_ =	sdelay $0x3  }
0x34: {  	[smem:$0x3FB6] =	sst s10  }
0x35: {  	s10 =	sld [smem:$0x3FB5];
	_ =	sdelay $0x3  }
0x36: {  	p1 =	seq.s32 s10, $0x1;
	s10 =	sld [smem:$0x3FB6];
	_ =	sdelay $0x3  }
0x37: {  	[smem:$0x3FB6] =	sst s10  }
0x38: {  	s10 =	sld [smem:$0x3FB7]  }
0x39: {  	_ = 	snop;
	(pc) =	sbr.ind lr, $3  }
0x3a: {  	_ = 	snop  }
0x3b: {  	_ = 	snop  }
0x3c: {  	p2 =	seq.s32 s10, $0x1;
	s10 =	sld [smem:$0x3FB6]  }
0x3d: {  	_ =	shalt  }
0x3e: {  	_ =	shalt  }
0x3f: {  	_ =	shalt  }
0x40: {  	_ =	shalt  }
0x41: {  	_ =	shalt  }
0x42: {  	_ =	shalt  }
0x43: {  	_ =	shalt  }
0x44: {  	_ =	shalt  }
0x45: {  	_ =	shalt  }
0x46: {  	_ =	shalt  }
0x47: {  	_ =	shalt  }
0x48: {  	_ =	shalt  }
0x49: {  	_ =	shalt  }
0x4a: {  	_ =	shalt  }
0x4b: {  	_ =	shalt  }
0x4c: {  	_ =	shalt  }
0x4d: {  	_ =	shalt  }
0x4e: {  	_ =	shalt  }
0x4f: {  	_ =	shalt  }
0x50: {  	_ =	shalt  }
0x51: {  	_ =	shalt  }
0x52: {  	_ =	shalt  }
0x53: {  	_ =	shalt  }
0x54: {  	_ =	shalt  }
0x55: {  	_ =	shalt  }
0x56: {  	_ =	shalt  }
0x57: {  	_ =	shalt  }
0x58: {  	_ =	shalt  }
0x59: {  	_ =	shalt  }
0x5a: {  	_ =	shalt  }
0x5b: {  	_ =	shalt  }
0x5c: {  	_ =	shalt  }
0x5d: {  	_ =	shalt  }
0x5e: {  	_ =	shalt  }
0x5f: {  	_ =	shalt  }
0x60: {  	_ =	shalt  }
0x61: {  	_ =	shalt  }
0x62: {  	_ =	shalt  }
0x63: {  	_ =	shalt  }
0x64: {  	_ =	shalt  }
0x65: {  	_ =	shalt  }
0x66: {  	_ =	shalt  }
0x67: {  	_ =	shalt  }
0x68: {  	_ =	shalt  }
0x69: {  	_ =	shalt  }
0x6a: {  	_ =	shalt  }
0x6b: {  	_ =	shalt  }
0x6c: {  	_ =	shalt  }
0x6d: {  	_ =	shalt  }
0x6e: {  	_ =	shalt  }
0x6f: {  	_ =	shalt  }
0x70: {  	_ =	shalt  }
0x71: {  	_ =	shalt  }
0x72: {  	_ =	shalt  }
0x73: {  	_ =	shalt  }
0x74: {  	_ =	shalt  }
0x75: {  	_ =	shalt  }
0x76: {  	_ =	shalt  }
0x77: {  	_ =	shalt  }
0x78: {  	_ =	shalt  }
0x79: {  	_ =	shalt  }
0x7a: {  	_ =	shalt  }
0x7b: {  	_ =	shalt  }
0x7c: {  	_ =	shalt  }
0x7d: {  	_ =	shalt  }
0x7e: {  	_ =	shalt  }
0x7f: {  	_ =	shalt  }
0x80: {  	_ =	shalt  }
0x81: {  	_ =	shalt  }
0x82: {  	_ =	shalt  }
0x83: {  	_ =	shalt  }
0x84: {  	_ =	shalt  }
0x85: {  	_ =	shalt  }
0x86: {  	_ =	shalt  }
0x87: {  	_ =	shalt  }
.Lfunc_end0:
.L_simem_size_0:
called_computation.2_lowered:
.L_overlay_start_0:
0x88: {  	s2 =	sld [smem:$0x3FD9]  }
0x89: {  	s3 =	sld [smem:$0x3FFE];
	_ =	sdelay $0x1  }
0x8a: {  	s1 =	srdreg.scid  }
0x8b: {  	s0 =	sand.u32 $0x1, s1  }
0x8c: {  	s17 =	sshll.u32 s0, $0xA;
	s2 =	sadd.s32 s3, s2  }
0x8d: {  	s2 =	sadd.s32 s2, s17  }
0x8e: {  	[smem:$0x3FC2] =	sst s2  }
0x8f: {  	_ = 	snop  }
0x90: {  	s2 =	sld [smem:$0x3FD0];
	(tm) =	ssettm $0x1  }
0x91: {  	s18 =	sld [smem:$0x3FFB];
	_ =	sdelay $0x3  }
0x92: {  	_ =	strace s18  }
0x93: {  	s3 =	sld [smem:$0x3FFC];
	_ =	sdelay $0x3  }
0x94: {  	_ =	strace s3  }
0x95: {  	s3 =	sld [smem:$0x3FFD];
	_ =	sdelay $0x3  }
0x96: {  	_ =	strace s3  }
0x97: {  	_ =	strace $0x8FFFFFFF  }
0x98: {  	s19 =	sld [smem:$0x3FDB];
	_ =	sdelay $0x1  }
0x99: {  	s4 =	simm.s32 $_scs_section_size  }
0x9a: {  	s5 =	simm.s32 $_size__tile_overlayer_lowered;
	s6 =	simm.s32 $_tile_overlayer_lowered  }
0x9b: {  	s22 =	simm.s32 $0x1BFF;
	s21 =	sshll.u32 s6, $0x1;
	s3 =	sadd.s32 s4, s19  }
0x9c: {  	s7 =	simm.s32 $0x0;
	s20 =	sshll.u32 s5, $0x1;
	s5 =	sadd.s32 s21, s3  }
0x9d: {  	[timem:s7], [sflag:s22] =	dma.local [hbm:s5], s20  }
0x9e: {  	_ =	swait.ge [sflag:s22], s20  }
0x9f: {  	s4 =	ssub.s32 $0x0, s20;
	[sflag:s22] =	ssyncset.done $0x0  }
0xa0: {  	[sflag:s22] =	ssyncadd.s32 s4;
	_ =	sdelay $0x1  }
0xa1: {  	s23 =	simm.s32 $0x1B8B  }
0xa2: {  	_ =	swait.ge [sflag:s23], $0x1  }
0xa3: {  	[sflag:s23] =	ssyncset.done $0x0  }
0xa4: {  	s25 =	simm.s32 $0x1B8E;
	s24 =	sld [smem:$0x3FFE];
	[sflag:s23] =	ssyncadd.s32 $0xFFFFFFFF  }
0xa5: {  	s26 =	simm.s32 $execute0_lowered;
	[smem:$0x3FD2] =	sst s25  }
0xa6: {  	s5 =	sshll.u32 s26, $0x1;
	_ =	strace $0x8000004C;
	[dreg:$0x1] =	wrdreg $0xFFFFFFFF  }
0xa7: {  	s28 =	simm.s32 $_size_execute0_lowered;
	s3 =	sadd.s32 s3, s5;
	[dreg:$0x0] =	wrdreg $0x0  }
0xa8: {  	s5 =	sshll.u32 s28, $0x1;
	[dreg:$0x2] =	wrdreg s3  }
0xa9: {  	[dreg:$0x3] =	wrdreg s5  }
0xaa: {  	[dreg:$0x4] =	wrdreg $0xC0  }
0xab: {  	_ =	task [dreg:s7], $0x5FFFF  }
0xac: {  	[dreg:$0x1] =	wrdreg $0xFFFFFFFF  }
0xad: {  	[dreg:$0x0] =	wrdreg $0x60  }
0xae: {  	[dreg:$0x2] =	wrdreg s24  }
0xaf: {  	[dreg:$0x3] =	wrdreg s2  }
0xb0: {  	[dreg:$0x4] =	wrdreg $0x69000  }
0xb1: {  	[dreg:$0x5] =	wrdreg $0x9  }
0xb2: {  	_ =	task.clear_ibuf [dreg:s7], $0x6FFFF;
	_ =	strace $0x9000004C  }
0xb3: {  	s29 =	simm.s32 $0x9;
	_ =	strace $0x8000004E  }
0xb4: {  	_ =	swait.ge [sflag:s29], $0x1  }
0xb5: {  	[sflag:s29] =	ssyncadd.s32 $0xFFFFFFFF  }
0xb6: {  	_ =	strace $0x9000004E  }
0xb7: {  	_ =	sfence  }
0xb8: {  	s30 =	sld [smem:$0x0];
	_ =	sdelay $0x2  }
0xb9: {  	s31 =	sshll.u32 s1, $0xD;
	s1 =	sshrl.u32 s1, $0x2  }
0xba: {  	s3 =	sand.u32 $0x4000, s31;
	s1 =	sadd.s32 s1, s30  }
0xbb: {  	s0 =	sor.u32 s3, s0;
	s1 =	sshll.u32 s1, $0x11  }
0xbc: {  	s0 =	sor.u32 s1, s0  }
0xbd: {  	s0 =	sadd.s32 $0x8F2B, s0  }
0xbe: {  	[sflag:s0] =	ssyncadd.remote.s32 $0x1  }
0xbf: {  	_ =	sfence.sel $0xFFFF  }
0xc0: {  	[dreg:$0x0] =	wrdreg $0xFFFFFFFF;
	(pc) =	sbr.abs _section_cstart, $3  }
0xc1: {  	[dreg:$0x1] =	wrdreg $0xFFFFFFFF  }
0xc2: {  	_ =	task.clear_ibuf [dreg:s7], $0x2FFFF;
	_ =	strace $0x9FFFFFFF  }
0xc3: {  	(tm) =	ssettm $0x7FFFFFFF  }
tec
execute0_lowered:
.L_overlay_start_1:
0x0: {  	(tag) =	ssettag $0x1  }
0x1: {  	s6 =	rddreg [dreg:$0x0]  }
0x2: {  	s2 =	rddreg [dreg:$0x1]  }
0x3: {  	s0 =	srdreg.scid;
	s3 =	rddreg [dreg:$0x2]  }
0x4: {  	s1 =	stileid.u32;
	s4 =	simm.s32 $0x0;
	s21 =	simm.s32 $0x80  }
0x5: {  	s22 =	simm.s32 $0x50;
	s23 =	simm.s32 $0x100;
	s8 =	smul.u32 $0x2710, s1  }
0x6: {  	s24 =	simm.s32 $0x1;
	s25 =	simm.s32 $0x0;
	s9 =	smul.u32 $0x50000, s1  }
0x7: {  	s7 =	sand.u32 $0x1, s0;
	s0 =	rddreg [dreg:$0x3];
	s10 =	smul.u32 $0x14000, s1  }
0x8: {  	[smem:$0x7FF] =	sst s4;
	s15 =	sadd.s32 $0x3D800, s6;
	s5 =	smul.u32 $0x27100, s7  }
0x9: {  	_ =	strace $0x8000004D;
	s30 =	ssub.s32 $0x2, s7;
	s17 =	smul.u32 $0x140000, s7  }
0xa: {  	s31 =	sshrl.u32 s30, $0x1;
	s9 =	sshrl.u32 s9, $0x2;
	s11 =	sadd.s32 $0x4000, s10  }
0xb: {  	s13 =	sadd.s32 $0x8000, s10;
	s14 =	sadd.s32 $0xC000, s10;
	s19 =	sadd.s32 $0x10000, s10  }
0xc: {  	s8 =	sadd.s32 s8, s5;
	s5 =	sadd.s32 $0x15800, s6;
	s16 =	ssub.s32 s30, s31  }
0xd: {  	s7 =	sadd.s32 s11, s3;
	s12 =	sadd.s32 s10, s17;
	s11 =	sadd.s32 s17, s11  }
0xe: {  	s10 =	sadd.s32 s19, s3;
	s8 =	sshrl.u32 s8, $0x3;
	s12 =	sshrl.u32 s12, $0x3  }
0xf: {  	s20 =	sshrl.u32 s11, $0x3;
	s16 =	smax.u32 s16, $0x1;
	s18 =	sadd.s32 s8, s6  }
0x10: {  	s6 =	sadd.s32 s9, s3;
	s8 =	sadd.s32 s13, s3;
	s9 =	sadd.s32 s14, s3  }
0x11: {  	s11 =	sadd.s32 s15, s12;
	s12 =	sadd.s32 s15, s20;
	s13 =	sadd.s32 s17, s13  }
0x12: {  	s14 =	sadd.s32 s17, s14;
	s17 =	sadd.s32 s17, s19;
	s19 =	simm.s32 $0x2900  }
0x13: {  	s20 =	simm.s32 $0x2;
	s13 =	sshrl.u32 s13, $0x3;
	s14 =	sshrl.u32 s14, $0x3  }
0x14: {  	s17 =	sshrl.u32 s17, $0x3;
	s13 =	sadd.s32 s15, s13;
	s14 =	sadd.s32 s15, s14  }
0x15: {  	s15 =	sadd.s32 s15, s17;
	s17 =	sadd.s32 $0x1C00, s18;
	s18 =	sadd.s32 $0xBA00, s18  }
.LBB2_1:
0x16: {  	[tilespmem:s19], [sflag:$0x2] =	stream.linear.gather [hbm4b:s2+s4], $0x4000, $0x38;
	[tilespmem:$0x1A900] =	vst v63  }
0x17: {  	_ =	swait.ge [sflag:s20], $0x4000  }
0x18: {  	[sflag:s20] =	ssyncset.done $0x0  }
0x19: {  	[sflag:s20] =	ssyncadd.s32 $0xFFFFC000  }
0x1a: {  	[spmem:s6] =	stream.linear.scatter [tilespmem:s19], [sflag:$0x2], $0x4000, $0x38;
	[tilespmem:$0x1A900] =	vst v63  }
0x1b: {  	_ =	swait.ge [sflag:s20], $0x4000  }
0x1c: {  	[sflag:s20] =	ssyncset.done $0x0  }
0x1d: {  	[sflag:s20] =	ssyncadd.s32 $0xFFFFC000  }
0x1e: {  	[spmem:s7] =	stream.linear.scatter [tilespmem:s19], [sflag:$0x2], $0x4000, $0x38;
	[tilespmem:$0x1A900] =	vst v63  }
0x1f: {  	_ =	swait.ge [sflag:s20], $0x4000  }
0x20: {  	[sflag:s20] =	ssyncset.done $0x0  }
0x21: {  	[sflag:s20] =	ssyncadd.s32 $0xFFFFC000  }
0x22: {  	[spmem:s8] =	stream.linear.scatter [tilespmem:s19], [sflag:$0x2], $0x4000, $0x38;
	[tilespmem:$0x1A900] =	vst v63  }
0x23: {  	_ =	swait.ge [sflag:s20], $0x4000  }
0x24: {  	[sflag:s20] =	ssyncset.done $0x0  }
0x25: {  	[sflag:s20] =	ssyncadd.s32 $0xFFFFC000  }
0x26: {  	[spmem:s9] =	stream.linear.scatter [tilespmem:s19], [sflag:$0x2], $0x4000, $0x38;
	[tilespmem:$0x1A900] =	vst v63  }
0x27: {  	_ =	swait.ge [sflag:s20], $0x4000  }
0x28: {  	[sflag:s20] =	ssyncset.done $0x0  }
0x29: {  	[sflag:s20] =	ssyncadd.s32 $0xFFFFC000  }
0x2a: {  	[spmem:s10] =	stream.linear.scatter [tilespmem:s19], [sflag:$0x2], $0x4000, $0x38;
	[tilespmem:$0x1A900] =	vst v63  }
0x2b: {  	_ =	swait.ge [sflag:s20], $0x4000  }
0x2c: {  	[sflag:s20] =	ssyncset.done $0x0  }
0x2d: {  	[sflag:s20] =	ssyncadd.s32 $0xFFFFC000  }
0x2e: {  	s26 =	sadd.s32 $0x0, s18;
	[bflag:$0x0] =	sbarrier.arrive $0xFFFF  }
0x2f: {  	[tilespmem:s4], [sflag:$0x2] =	stream.linear.gather [hbm4b:s26+s4], $0x50, $0x38;
	[tilespmem:$0x1A900] =	vst v63  }
0x30: {  	_ =	swait.ge [sflag:s20], $0x50  }
0x31: {  	[sflag:s20] =	ssyncset.done $0x0  }
0x32: {  	s31 =	sadd.s32 $0x0, s17;
	[sflag:s20] =	ssyncadd.s32 $0xFFFFFFB0  }
0x33: {  	[tilespmem:s21], [sflag:$0x2] =	stream.linear.gather [hbm4b:s31+s4], $0x50, $0x38;
	[tilespmem:$0x1A900] =	vst v63  }
0x34: {  	_ =	swait.ge [sflag:s20], $0x50  }
0x35: {  	[sflag:s20] =	ssyncset.done $0x0  }
0x36: {  	[sflag:s20] =	ssyncadd.s32 $0xFFFFFFB0  }
0x37: {  	[tilespmem:s23], [sflag:$0x1] =	stream.indirect.gather [hbm4b:s5+s22], $0x80, s4, s22, $0xb8;
	[tilespmem:$0x1A900] =	vst v63  }
0x38: {  	_ =	swait.ge [sflag:s24], $0x2800  }
0x39: {  	[sflag:s24] =	ssyncset.done $0x0  }
0x3a: {  	[sflag:s24] =	ssyncadd.s32 $0xFFFFD800  }
0x3b: {  	[spmem:s3] =	stream.indirect.scatter.add.f32 [tilespmem:s23], [sflag:$0x2], $0x80, s21, s22, $0xb8;
	[tilespmem:$0x1A900] =	vst v63  }
0x3c: {  	_ =	swait.ge [sflag:s20], $0x2800  }
0x3d: {  	s28 =	simm.s32 $0x14;
	s26 =	simm.s32 $0xA;
	[sflag:s20] =	ssyncset.done $0x0  }
.LBB2_2:
0x3e: {  	s29 =	sadd.s32 s26, s18  }
0x3f: {  	[sflag:s20] =	ssyncadd.s32 $0xFFFFD800;
	s30 =	smov.u32 s28;
	s31 =	sadd.s32 $0xA, s28  }
0x40: {  	[tilespmem:s4], [sflag:$0x2] =	stream.linear.gather [hbm4b:s29+s4], $0x50, $0x38;
	[tilespmem:$0x1A900] =	vst v63  }
0x41: {  	p0 =	sne.s32 s28, $0x4D8;
	_ =	swait.ge [sflag:s20], $0x50  }
0x42: {  	[sflag:s20] =	ssyncset.done $0x0  }
0x43: {  	s28 =	sadd.s32 s26, s17;
	s26 =	smov.u32 s30;
	[sflag:s20] =	ssyncadd.s32 $0xFFFFFFB0  }
0x44: {  	[tilespmem:s21], [sflag:$0x2] =	stream.linear.gather [hbm4b:s28+s4], $0x50, $0x38;
	[tilespmem:$0x1A900] =	vst v63  }
0x45: {  	_ =	swait.ge [sflag:s20], $0x50  }
0x46: {  	[sflag:s20] =	ssyncset.done $0x0  }
0x47: {  	[sflag:s20] =	ssyncadd.s32 $0xFFFFFFB0  }
0x48: {  	[tilespmem:s23], [sflag:$0x1] =	stream.indirect.gather [hbm4b:s5+s22], $0x80, s4, s22, $0xb8;
	[tilespmem:$0x1A900] =	vst v63  }
0x49: {  	_ =	swait.ge [sflag:s24], $0x2800  }
.Ltmp0:
0x4a: {  	[sflag:s24] =	ssyncset.done $0x0;
	(pc) =	sbr.rel @p0 .LBB2_2-.Ltmp0, $4  }
0x4b: {  	[sflag:s24] =	ssyncadd.s32 $0xFFFFD800  }
0x4c: {  	[spmem:s3] =	stream.indirect.scatter.add.f32 [tilespmem:s23], [sflag:$0x2], $0x80, s21, s22, $0xb8;
	[tilespmem:$0x1A900] =	vst v63  }
0x4d: {  	_ =	swait.ge [sflag:s20], $0x2800  }
0x4e: {  	s28 =	smov.u32 s31;
	[sflag:s20] =	ssyncset.done $0x0  }
0x4f: {  	s28 =	sadd.s32 s26, s18;
	[sflag:s20] =	ssyncadd.s32 $0xFFFFD800  }
0x50: {  	[tilespmem:s4], [sflag:$0x2] =	stream.linear.gather [hbm4b:s28+s4], $0x50, $0x38;
	[tilespmem:$0x1A900] =	vst v63  }
0x51: {  	_ =	swait.ge [sflag:s20], $0x50  }
0x52: {  	[sflag:s20] =	ssyncset.done $0x0  }
0x53: {  	s31 =	sadd.s32 s26, s17;
	[sflag:s20] =	ssyncadd.s32 $0xFFFFFFB0  }
0x54: {  	[tilespmem:s21], [sflag:$0x2] =	stream.linear.gather [hbm4b:s31+s4], $0x50, $0x38;
	[tilespmem:$0x1A900] =	vst v63  }
0x55: {  	_ =	swait.ge [sflag:s20], $0x50  }
0x56: {  	[sflag:s20] =	ssyncset.done $0x0  }
0x57: {  	[sflag:s20] =	ssyncadd.s32 $0xFFFFFFB0  }
0x58: {  	[tilespmem:s23], [sflag:$0x1] =	stream.indirect.gather [hbm4b:s5+s22], $0x80, s4, s22, $0xb8;
	[tilespmem:$0x1A900] =	vst v63  }
0x59: {  	_ =	swait.ge [sflag:s24], $0x2800  }
0x5a: {  	[sflag:s24] =	ssyncset.done $0x0  }
0x5b: {  	[sflag:s24] =	ssyncadd.s32 $0xFFFFD800  }
0x5c: {  	[spmem:s3] =	stream.indirect.scatter.add.f32 [tilespmem:s23], [sflag:$0x2], $0x80, s21, s22, $0xb8;
	[tilespmem:$0x1A900] =	vst v63  }
0x5d: {  	_ =	swait.ge [sflag:s20], $0x2800  }
0x5e: {  	[sflag:s20] =	ssyncset.done $0x0  }
0x5f: {  	[sflag:s20] =	ssyncadd.s32 $0xFFFFD800  }
0x60: {  	[bflag:$0x0] =	sbarrier.arrive $0xFFFF  }
0x61: {  	[tilespmem:s19], [sflag:$0x2] =	stream.linear.gather [spmem:s6], $0x4000, $0x38;
	[tilespmem:$0x1A900] =	vst v63  }
0x62: {  	_ =	swait.ge [sflag:s20], $0x4000  }
0x63: {  	[sflag:s20] =	ssyncset.done $0x0  }
0x64: {  	[sflag:s20] =	ssyncadd.s32 $0xFFFFC000  }
0x65: {  	[hbm4b:s11+s4] =	stream.linear.scatter [tilespmem:s19], [sflag:$0x2], $0x4000, $0x38;
	[tilespmem:$0x1A900] =	vst v63  }
0x66: {  	_ =	swait.ge [sflag:s20], $0x4000  }
0x67: {  	[sflag:s20] =	ssyncset.done $0x0  }
0x68: {  	[sflag:s20] =	ssyncadd.s32 $0xFFFFC000  }
0x69: {  	[tilespmem:s19], [sflag:$0x2] =	stream.linear.gather [spmem:s7], $0x4000, $0x38;
	[tilespmem:$0x1A900] =	vst v63  }
0x6a: {  	_ =	swait.ge [sflag:s20], $0x4000  }
0x6b: {  	[sflag:s20] =	ssyncset.done $0x0  }
0x6c: {  	[sflag:s20] =	ssyncadd.s32 $0xFFFFC000  }
0x6d: {  	[hbm4b:s12+s4] =	stream.linear.scatter [tilespmem:s19], [sflag:$0x2], $0x4000, $0x38;
	[tilespmem:$0x1A900] =	vst v63  }
0x6e: {  	_ =	swait.ge [sflag:s20], $0x4000  }
0x6f: {  	[sflag:s20] =	ssyncset.done $0x0  }
0x70: {  	[sflag:s20] =	ssyncadd.s32 $0xFFFFC000  }
0x71: {  	[tilespmem:s19], [sflag:$0x2] =	stream.linear.gather [spmem:s8], $0x4000, $0x38;
	[tilespmem:$0x1A900] =	vst v63  }
0x72: {  	_ =	swait.ge [sflag:s20], $0x4000  }
0x73: {  	[sflag:s20] =	ssyncset.done $0x0  }
0x74: {  	[sflag:s20] =	ssyncadd.s32 $0xFFFFC000  }
0x75: {  	[hbm4b:s13+s4] =	stream.linear.scatter [tilespmem:s19], [sflag:$0x2], $0x4000, $0x38;
	[tilespmem:$0x1A900] =	vst v63  }
0x76: {  	_ =	swait.ge [sflag:s20], $0x4000  }
0x77: {  	[sflag:s20] =	ssyncset.done $0x0  }
0x78: {  	[sflag:s20] =	ssyncadd.s32 $0xFFFFC000  }
0x79: {  	[tilespmem:s19], [sflag:$0x2] =	stream.linear.gather [spmem:s9], $0x4000, $0x38;
	[tilespmem:$0x1A900] =	vst v63  }
0x7a: {  	_ =	swait.ge [sflag:s20], $0x4000  }
0x7b: {  	[sflag:s20] =	ssyncset.done $0x0  }
0x7c: {  	[sflag:s20] =	ssyncadd.s32 $0xFFFFC000  }
0x7d: {  	[hbm4b:s14+s4] =	stream.linear.scatter [tilespmem:s19], [sflag:$0x2], $0x4000, $0x38;
	[tilespmem:$0x1A900] =	vst v63  }
0x7e: {  	_ =	swait.ge [sflag:s20], $0x4000  }
0x7f: {  	[sflag:s20] =	ssyncset.done $0x0  }
0x80: {  	[sflag:s20] =	ssyncadd.s32 $0xFFFFC000  }
0x81: {  	[tilespmem:s19], [sflag:$0x2] =	stream.linear.gather [spmem:s10], $0x4000, $0x38;
	[tilespmem:$0x1A900] =	vst v63  }
0x82: {  	s25 =	sadd.s32 $0x1, s25;
	_ =	swait.ge [sflag:s20], $0x4000  }
0x83: {  	p0 =	sne.s32 s25, s16;
	[sflag:s20] =	ssyncset.done $0x0  }
.Ltmp1:
0x84: {  	[sflag:s20] =	ssyncadd.s32 $0xFFFFC000;
	(pc) =	sbr.rel @p0 .LBB2_1-.Ltmp1, $4  }
0x85: {  	[hbm4b:s15+s4] =	stream.linear.scatter [tilespmem:s19], [sflag:$0x2], $0x4000, $0x38;
	[tilespmem:$0x1A900] =	vst v63  }
0x86: {  	_ =	swait.ge [sflag:s20], $0x4000  }
0x87: {  	[sflag:s20] =	ssyncset.done $0x0  }
0x88: {  	[sflag:s20] =	ssyncadd.s32 $0xFFFFC000  }
0x89: {  	_ =	sfence.sel $0x180000  }
0x8a: {  	[bflag:$0x0] =	sbarrier.arrive $0xFFFF  }
0x8b: {  	p0 =	sne.s32 s1, $0x0;
	_ =	strace $0x9000004D  }
0x8c: {  	s0 =	sadd.s32 @!p0 $0x100000, s0;
	[bflag:$0x2] =	sbarrier.arrive $0xFFFF  }
0x8d: {  	[sflag:s0] =	ssyncadd.tile.s32 @!p0 $0x1;
	_ =	shalt  }
.Lfunc_end2:
_tile_overlayer_lowered:
.L_overlay_start_2:
0x8e: {  	(tag) =	ssettag $0x2  }
0x8f: {  	s0 =	rddreg [dreg:$0x0];
	s2 =	stileid.u32  }
0x90: {  	s1 =	rddreg [dreg:$0x1];
	p0 =	sne.s32 s2, $0x0  }
0x91: {  	s3 =	rddreg [dreg:$0x2];
	[bflag:$0x3] =	sbarrier.arrive $0xFFFF;
	s2 =	simm.s32 @!p0 $0x1C02  }
0x92: {  	[timem:s3], [sflag:s2] =	dma.local @!p0 [hbm:s0], s1  }
0x93: {  	s0 =	simm.s32 @!p0 $0x2  }
0x94: {  	_ =	swait.ge @!p0 [sflag:s0], s1  }
0x95: {  	s1 =	ssub.s32 @!p0 $0x0, s1;
	[sflag:s0] =	ssyncset.done @!p0 $0x0  }
0x96: {  	[sflag:s0] =	ssyncadd.s32 @!p0 s1  }
0x97: {  	[bflag:$0x3] =	sbarrier.arrive $0xFFFF  }
0x98: {  	_ =	shalt  }

// kernel: kernel.8.cloned.1.call-start
scs
__scs_entry_jumppad:
0x0: {  	(pc) =	sbr.rel $0x88, $3  }
0x1: {  	(tag) =	ssettag $0x0;
	lr =	simm.s32 $0x1  }
0x2: {  	[smem:$0x3F9B] =	sst lr;
	_ =	strace $0xD0000000  }
0x3: {  	_ = 	snop  }
0x4: {  	_ = 	snop  }
0x5: {  	_ = 	snop  }
0x6: {  	_ = 	snop  }
0x7: {  	_ = 	snop  }
__scs_overlays_trampoline_lowered:
0x8: {  	[smem:$0x3FAA] =	sst s0  }
0x9: {  	[smem:$0x3FAB] =	sst s1  }
0xa: {  	[smem:$0x3FAC] =	sst s2  }
0xb: {  	[smem:$0x3FAD] =	sst s3  }
0xc: {  	[smem:$0x3FAE] =	sst s4  }
0xd: {  	[smem:$0x3FAF] =	sst s5  }
0xe: {  	[smem:$0x3FB0] =	sst s6  }
0xf: {  	[smem:$0x3FB1] =	sst s7  }
0x10: {  	[smem:$0x3FB2] =	sst s8  }
0x11: {  	[smem:$0x3FB3] =	sst s9;
	s0 =	simm.s32 @!p0 $0x0  }
0x12: {  	s1 =	sld [smem:$0x3F99];
	s0 =	simm.s32 @p0 $0x1  }
0x13: {  	[smem:$0x3FB4] =	sst s0;
	s0 =	simm.s32 @!p1 $0x0  }
0x14: {  	s2 =	sld [smem:$0x3F98];
	s0 =	simm.s32 @p1 $0x1  }
0x15: {  	[smem:$0x3FB5] =	sst s0;
	s0 =	simm.s32 @!p2 $0x0  }
0x16: {  	s3 =	sld [smem:$0x3FDB];
	s0 =	simm.s32 @p2 $0x1  }
0x17: {  	s4 =	simm.s32 $0x1BF5;
	[smem:$0x3FB7] =	sst s0  }
0x18: {  	s0 =	sld [smem:$0x3F9A];
	_ =	swait.ge [sflag:s4], $0x0  }
0x19: {  	s7 =	sld [smem:$0x3F9B]  }
0x1a: {  	s8 =	sadd.s32 $0xFFFFE003, lr  }
0x1b: {  	s9 =	sadd.s32 $0xFFFFFEF7, lr;
	s5 =	simm.s32 $0xFFFFFFFF;
	p2 =	slt.u32 s8, $0xFFFFF086  }
0x1c: {  	p1 =	slt.u32 s9, $0xF7A;
	s5 =	simm.s32 @!p2 $0x0  }
0x1d: {  	s5 =	simm.s32 @p1 $0x1;
	p0 =	seq.s32 s7, s2  }
0x1e: {  	s7 =	smul.u32 @!p0 $0xF7A, s2;
	p2 =	seq.s32 @!p0 s5, $0x0  }
0x1f: {  	s9 =	smul.u32 $0xF7A, s1;
	s8 =	simm.s32 @!p0 $0x1BF5;
	p2 =	por !p2, p0  }
0x20: {  	[sflag:s8] =	ssyncset.s32 @!p0 $0xFFFFF086;
	s6 =	sadd.s32 @!p0 s3, s7;
	s7 =	simm.s32 @!p0 $0x108  }
0x21: {  	s3 =	sadd.s32 s3, s9;
	s6 =	sadd.s32 @!p0 $0x88, s6;
	s7 =	simm.s32 @p2 $0x1082  }
0x22: {  	[simem:s7], [sflag:s8] =	dma.local @!p0 [hbm:s6], $0xF7A  }
0x23: {  	s9 =	sor.u32 $0xD0000000, s2;
	s6 =	simm.s32 $0x108;
	_ =	swait.ge @!p0 [sflag:s8], $0x0  }
0x24: {  	s3 =	sadd.s32 $0x88, s3;
	s6 =	simm.s32 @!p1 $0x1082;
	[sflag:s4] =	ssyncset.s32 $0xFFFFF086  }
0x25: {  	[simem:s6], [sflag:s4] =	dma.local [hbm:s3], $0xF7A  }
0x26: {  	[smem:$0x3F9B] =	sst s1;
	(tag) =	ssettag s2;
	_ =	strace s9  }
0x27: {  	s1 =	sld [smem:$0x3FAB]  }
0x28: {  	s2 =	sld [smem:$0x3FAC]  }
0x29: {  	s4 =	sld [smem:$0x3FAE]  }
0x2a: {  	p0 =	seq.s32 s5, $0x0;
	s5 =	sld [smem:$0x3FAF]  }
0x2b: {  	s6 =	sld [smem:$0x3FB0]  }
0x2c: {  	s7 =	sld [smem:$0x3FB1]  }
0x2d: {  	s3 =	simm.s32 $0x108;
	s8 =	sld [smem:$0x3FB2]  }
0x2e: {  	s3 =	simm.s32 @!p0 $0x1082;
	s9 =	sld [smem:$0x3FB3]  }
0x2f: {  	lr =	sadd.s32 s0, s3;
	s0 =	sld [smem:$0x3FAA]  }
0x30: {  	s3 =	sld [smem:$0x3FAD]  }
0x31: {  	[smem:$0x3FB6] =	sst s10  }
0x32: {  	s10 =	sld [smem:$0x3FB4];
	_ =	sdelay $0x3  }
0x33: {  	p0 =	seq.s32 s10, $0x1;
	s10 =	sld [smem:$0x3FB6];
	_ =	sdelay $0x3  }
0x34: {  	[smem:$0x3FB6] =	sst s10  }
0x35: {  	s10 =	sld [smem:$0x3FB5];
	_ =	sdelay $0x3  }
0x36: {  	p1 =	seq.s32 s10, $0x1;
	s10 =	sld [smem:$0x3FB6];
	_ =	sdelay $0x3  }
0x37: {  	[smem:$0x3FB6] =	sst s10  }
0x38: {  	s10 =	sld [smem:$0x3FB7]  }
0x39: {  	_ = 	snop;
	(pc) =	sbr.ind lr, $3  }
0x3a: {  	_ = 	snop  }
0x3b: {  	_ = 	snop  }
0x3c: {  	p2 =	seq.s32 s10, $0x1;
	s10 =	sld [smem:$0x3FB6]  }
0x3d: {  	_ =	shalt  }
0x3e: {  	_ =	shalt  }
0x3f: {  	_ =	shalt  }
0x40: {  	_ =	shalt  }
0x41: {  	_ =	shalt  }
0x42: {  	_ =	shalt  }
0x43: {  	_ =	shalt  }
0x44: {  	_ =	shalt  }
0x45: {  	_ =	shalt  }
0x46: {  	_ =	shalt  }
0x47: {  	_ =	shalt  }
0x48: {  	_ =	shalt  }
0x49: {  	_ =	shalt  }
0x4a: {  	_ =	shalt  }
0x4b: {  	_ =	shalt  }
0x4c: {  	_ =	shalt  }
0x4d: {  	_ =	shalt  }
0x4e: {  	_ =	shalt  }
0x4f: {  	_ =	shalt  }
0x50: {  	_ =	shalt  }
0x51: {  	_ =	shalt  }
0x52: {  	_ =	shalt  }
0x53: {  	_ =	shalt  }
0x54: {  	_ =	shalt  }
0x55: {  	_ =	shalt  }
0x56: {  	_ =	shalt  }
0x57: {  	_ =	shalt  }
0x58: {  	_ =	shalt  }
0x59: {  	_ =	shalt  }
0x5a: {  	_ =	shalt  }
0x5b: {  	_ =	shalt  }
0x5c: {  	_ =	shalt  }
0x5d: {  	_ =	shalt  }
0x5e: {  	_ =	shalt  }
0x5f: {  	_ =	shalt  }
0x60: {  	_ =	shalt  }
0x61: {  	_ =	shalt  }
0x62: {  	_ =	shalt  }
0x63: {  	_ =	shalt  }
0x64: {  	_ =	shalt  }
0x65: {  	_ =	shalt  }
0x66: {  	_ =	shalt  }
0x67: {  	_ =	shalt  }
0x68: {  	_ =	shalt  }
0x69: {  	_ =	shalt  }
0x6a: {  	_ =	shalt  }
0x6b: {  	_ =	shalt  }
0x6c: {  	_ =	shalt  }
0x6d: {  	_ =	shalt  }
0x6e: {  	_ =	shalt  }
0x6f: {  	_ =	shalt  }
0x70: {  	_ =	shalt  }
0x71: {  	_ =	shalt  }
0x72: {  	_ =	shalt  }
0x73: {  	_ =	shalt  }
0x74: {  	_ =	shalt  }
0x75: {  	_ =	shalt  }
0x76: {  	_ =	shalt  }
0x77: {  	_ =	shalt  }
0x78: {  	_ =	shalt  }
0x79: {  	_ =	shalt  }
0x7a: {  	_ =	shalt  }
0x7b: {  	_ =	shalt  }
0x7c: {  	_ =	shalt  }
0x7d: {  	_ =	shalt  }
0x7e: {  	_ =	shalt  }
0x7f: {  	_ =	shalt  }
0x80: {  	_ =	shalt  }
0x81: {  	_ =	shalt  }
0x82: {  	_ =	shalt  }
0x83: {  	_ =	shalt  }
0x84: {  	_ =	shalt  }
0x85: {  	_ =	shalt  }
0x86: {  	_ =	shalt  }
0x87: {  	_ =	shalt  }
.Lfunc_end0:
.L_simem_size_0:
called_computation_lowered:
.L_overlay_start_0:
0x88: {  	s2 =	sld [smem:$0x3FD9]  }
0x89: {  	s3 =	sld [smem:$0x3FFE];
	_ =	sdelay $0x1  }
0x8a: {  	s1 =	srdreg.scid  }
0x8b: {  	s0 =	sand.u32 $0x1, s1  }
0x8c: {  	s17 =	sshll.u32 s0, $0xA;
	s2 =	sadd.s32 s3, s2  }
0x8d: {  	s2 =	sadd.s32 s2, s17  }
0x8e: {  	[smem:$0x3FC2] =	sst s2  }
0x8f: {  	_ = 	snop  }
0x90: {  	s2 =	sld [smem:$0x3FD0];
	(tm) =	ssettm $0x1  }
0x91: {  	s18 =	sld [smem:$0x3FFB];
	_ =	sdelay $0x3  }
0x92: {  	_ =	strace s18  }
0x93: {  	s3 =	sld [smem:$0x3FFC];
	_ =	sdelay $0x3  }
0x94: {  	_ =	strace s3  }
0x95: {  	s3 =	sld [smem:$0x3FFD];
	_ =	sdelay $0x3  }
0x96: {  	_ =	strace s3  }
0x97: {  	_ =	strace $0x8FFFFFFF  }
0x98: {  	s19 =	sld [smem:$0x3FDB];
	_ =	sdelay $0x1  }
0x99: {  	s4 =	simm.s32 $_scs_section_size  }
0x9a: {  	s5 =	simm.s32 $_size__tile_overlayer_lowered;
	s6 =	simm.s32 $_tile_overlayer_lowered  }
0x9b: {  	s22 =	simm.s32 $0x1BFF;
	s21 =	sshll.u32 s6, $0x1;
	s3 =	sadd.s32 s4, s19  }
0x9c: {  	s7 =	simm.s32 $0x0;
	s20 =	sshll.u32 s5, $0x1;
	s5 =	sadd.s32 s21, s3  }
0x9d: {  	[timem:s7], [sflag:s22] =	dma.local [hbm:s5], s20  }
0x9e: {  	_ =	swait.ge [sflag:s22], s20  }
0x9f: {  	s4 =	ssub.s32 $0x0, s20;
	[sflag:s22] =	ssyncset.done $0x0  }
0xa0: {  	[sflag:s22] =	ssyncadd.s32 s4;
	_ =	sdelay $0x1  }
0xa1: {  	s23 =	simm.s32 $0x1B8B  }
0xa2: {  	_ =	swait.ge [sflag:s23], $0x1  }
0xa3: {  	[sflag:s23] =	ssyncset.done $0x0  }
0xa4: {  	s25 =	simm.s32 $0x1B8E;
	s24 =	sld [smem:$0x3FFE];
	[sflag:s23] =	ssyncadd.s32 $0xFFFFFFFF  }
0xa5: {  	s26 =	simm.s32 $execute0_lowered;
	[smem:$0x3FD2] =	sst s25  }
0xa6: {  	s5 =	sshll.u32 s26, $0x1;
	_ =	strace $0x80000046;
	[dreg:$0x1] =	wrdreg $0xFFFFFFFF  }
0xa7: {  	s28 =	simm.s32 $_size_execute0_lowered;
	s3 =	sadd.s32 s3, s5;
	[dreg:$0x0] =	wrdreg $0x0  }
0xa8: {  	s5 =	sshll.u32 s28, $0x1;
	[dreg:$0x2] =	wrdreg s3  }
0xa9: {  	[dreg:$0x3] =	wrdreg s5  }
0xaa: {  	[dreg:$0x4] =	wrdreg $0xC0  }
0xab: {  	_ =	task [dreg:s7], $0x5FFFF  }
0xac: {  	[dreg:$0x1] =	wrdreg $0xFFFFFFFF  }
0xad: {  	[dreg:$0x0] =	wrdreg $0x60  }
0xae: {  	[dreg:$0x2] =	wrdreg s2  }
0xaf: {  	[dreg:$0x3] =	wrdreg s24  }
0xb0: {  	[dreg:$0x4] =	wrdreg $0x53000  }
0xb1: {  	[dreg:$0x5] =	wrdreg $0x9  }
0xb2: {  	_ =	task.clear_ibuf [dreg:s7], $0x6FFFF;
	_ =	strace $0x90000046  }
0xb3: {  	s29 =	simm.s32 $0x9;
	_ =	strace $0x80000048  }
0xb4: {  	_ =	swait.ge [sflag:s29], $0x1  }
0xb5: {  	[sflag:s29] =	ssyncadd.s32 $0xFFFFFFFF  }
0xb6: {  	_ =	strace $0x90000048  }
0xb7: {  	_ =	sfence  }
0xb8: {  	s30 =	sld [smem:$0x0];
	_ =	sdelay $0x2  }
0xb9: {  	s31 =	sshll.u32 s1, $0xD;
	s1 =	sshrl.u32 s1, $0x2  }
0xba: {  	s3 =	sand.u32 $0x4000, s31;
	s1 =	sadd.s32 s1, s30  }
0xbb: {  	s0 =	sor.u32 s3, s0;
	s1 =	sshll.u32 s1, $0x11  }
0xbc: {  	s0 =	sor.u32 s1, s0  }
0xbd: {  	s0 =	sadd.s32 $0x8F2B, s0  }
0xbe: {  	[sflag:s0] =	ssyncadd.remote.s32 $0x1  }
0xbf: {  	_ =	sfence.sel $0xFFFF  }
0xc0: {  	[dreg:$0x0] =	wrdreg $0xFFFFFFFF;
	(pc) =	sbr.abs _section_cstart, $3  }
0xc1: {  	[dreg:$0x1] =	wrdreg $0xFFFFFFFF  }
0xc2: {  	_ =	task.clear_ibuf [dreg:s7], $0x2FFFF;
	_ =	strace $0x9FFFFFFF  }
0xc3: {  	(tm) =	ssettm $0x7FFFFFFF  }
tec
execute0_lowered:
.L_overlay_start_1:
0x0: {  	(tag) =	ssettag $0x1  }
0x1: {  	s6 =	rddreg [dreg:$0x0]  }
0x2: {  	s7 =	rddreg [dreg:$0x1]  }
0x3: {  	s1 =	rddreg [dreg:$0x2]  }
0x4: {  	s0 =	rddreg [dreg:$0x3];
	s3 =	simm.s32 $0x0;
	s5 =	srdreg.scid  }
0x5: {  	s2 =	stileid.u32;
	s13 =	simm.s32 $0x80;
	s14 =	simm.s32 $0x1  }
0x6: {  	s15 =	simm.s32 $0x100;
	s16 =	simm.s32 $0x0;
	[smem:$0x7FF] =	sst s3  }
0x7: {  	s4 =	sadd.s32 $0x15800, s7;
	s8 =	sand.u32 $0x1, s5;
	s9 =	smul.u32 $0x500, s2  }
0x8: {  	s5 =	sadd.s32 $0x15A00, s7;
	s30 =	smul.u32 $0xA00, s2;
	_ =	strace $0x80000047  }
0x9: {  	s10 =	sshll.u32 s8, $0x7;
	s11 =	sshll.u32 s8, $0x4;
	s8 =	ssub.s32 $0x2, s8  }
0xa: {  	s9 =	sor.u32 s10, s9;
	s29 =	sor.u32 s2, s11;
	s31 =	sshrl.u32 s8, $0x1  }
0xb: {  	s11 =	sshrl.u32 s30, $0x2;
	s9 =	sshrl.u32 s9, $0x3;
	s10 =	smul.u32 $0x500, s29  }
0xc: {  	s12 =	ssub.s32 s8, s31;
	s9 =	sadd.s32 s9, s7;
	s7 =	sadd.s32 s11, s1  }
0xd: {  	s11 =	simm.s32 $0x5080;
	s6 =	sadd.s32 s6, s10;
	s8 =	sadd.s32 $0x15C00, s9  }
0xe: {  	s9 =	smax.u32 s12, $0x1;
	s10 =	simm.s32 $0x2;
	s12 =	simm.s32 $0x5000  }
.LBB2_1:
0xf: {  	[tilespmem:s3], [sflag:$0x2] =	stream.linear.gather [hbm4b:s6+s3], $0x2800, $0x38;
	[tilespmem:$0x5588] =	vst v63  }
0x10: {  	_ =	swait.ge [sflag:s10], $0x2800  }
0x11: {  	[sflag:s10] =	ssyncset.done $0x0  }
0x12: {  	[sflag:s10] =	ssyncadd.s32 $0xFFFFD800  }
0x13: {  	[tilespmem:s11], [sflag:$0x2] =	stream.linear.gather [hbm4b:s5+s3], $0x280, $0x38;
	[tilespmem:$0x5588] =	vst v63  }
0x14: {  	_ =	swait.ge [sflag:s10], $0x280  }
0x15: {  	[sflag:s10] =	ssyncset.done $0x0  }
0x16: {  	[sflag:s10] =	ssyncadd.s32 $0xFFFFFD80  }
0x17: {  	[tilespmem:s12], [sflag:$0x2] =	stream.linear.gather [hbm4b:s4+s3], $0x80, $0x38;
	[tilespmem:$0x5588] =	vst v63  }
0x18: {  	_ =	swait.ge [sflag:s10], $0x80  }
0x19: {  	[sflag:s10] =	ssyncset.done $0x0  }
0x1a: {  	[sflag:s10] =	ssyncadd.s32 $0xFFFFFF80  }
0x1b: {  	[spmem:s7] =	stream.linear.scatter [tilespmem:s11], [sflag:$0x2], $0x280, $0x38;
	[tilespmem:$0x5588] =	vst v63  }
0x1c: {  	_ =	swait.ge [sflag:s10], $0x280  }
0x1d: {  	[sflag:s10] =	ssyncset.done $0x0  }
0x1e: {  	s18 =	simm.s32 $0x0;
	[sflag:s10] =	ssyncadd.s32 $0xFFFFFD80  }
0x1f: {  	v1 =	vld [tilespmem:s18+$0x70]  }
0x20: {  	v4 =	vld [tilespmem:s18+$0x0]  }
0x21: {  	v5 =	vld [tilespmem:s18+$0x10]  }
0x22: {  	v3 =	vld [tilespmem:s18+$0x20]  }
0x23: {  	v2 =	vld [tilespmem:s18+$0x30]  }
0x24: {  	v0 =	vld [tilespmem:s18+$0x40];
	v6 =	vshrl.u32 v1, $0x10  }
0x25: {  	v1 =	vld [tilespmem:s18+$0x50];
	v4 =	vshrl.u32 v4, $0x10;
	[tilespmem:s18+$0x2870] =	vst v6  }
0x26: {  	s17 =	simm.s32 $0x80;
	s19 =	simm.s32 $0x400;
	v5 =	vshrl.u32 v5, $0x10;
	[tilespmem:s18+$0x2800] =	vst v4;
	v4 =	vld [tilespmem:s18+$0x60]  }
.LBB2_2:
0x27: {  	p0 =	sne.s32 s19, $0x9E00;
	v6 =	vld [tilespmem:s17+$0x70];
	[tilespmem:s18+$0x2810] =	vst v5;
	v3 =	vshrl.u32 v3, $0x10  }
0x28: {  	v5 =	vld [tilespmem:s17+$0x0];
	[tilespmem:s18+$0x2820] =	vst v3;
	v2 =	vshrl.u32 v2, $0x10  }
0x29: {  	v7 =	vld [tilespmem:s17+$0x10];
	[tilespmem:s18+$0x2830] =	vst v2;
	v0 =	vshrl.u32 v0, $0x10  }
.Ltmp0:
0x2a: {  	v3 =	vld [tilespmem:s17+$0x20];
	[tilespmem:s18+$0x2840] =	vst v0;
	v0 =	vshrl.u32 v1, $0x10;
	(pc) =	sbr.rel @p0 .LBB2_2-.Ltmp0, $4  }
0x2b: {  	v2 =	vld [tilespmem:s17+$0x30];
	[tilespmem:s18+$0x2850] =	vst v0;
	v1 =	vshrl.u32 v4, $0x10  }
0x2c: {  	v0 =	vld [tilespmem:s17+$0x40];
	v4 =	vshrl.u32 v6, $0x10;
	[tilespmem:s18+$0x2860] =	vst v1;
	s18 =	smov.u32 s17  }
0x2d: {  	v5 =	vshrl.u32 v5, $0x10;
	v1 =	vld [tilespmem:s18+$0x50];
	[tilespmem:s18+$0x2870] =	vst v4  }
0x2e: {  	s17 =	sshra.s32 s19, $0x2;
	s19 =	sadd.s32 $0x200, s19;
	[tilespmem:s18+$0x2800] =	vst v5;
	v5 =	vshrl.u32 v7, $0x10;
	v4 =	vld [tilespmem:s18+$0x60]  }
0x2f: {  	v6 =	vld [tilespmem:s17+$0x70];
	[tilespmem:s18+$0x2810] =	vst v5;
	v3 =	vshrl.u32 v3, $0x10  }
0x30: {  	v5 =	vld [tilespmem:s17+$0x0];
	[tilespmem:s18+$0x2820] =	vst v3;
	v2 =	vshrl.u32 v2, $0x10  }
0x31: {  	v3 =	vld [tilespmem:s17+$0x10];
	[tilespmem:s18+$0x2830] =	vst v2;
	v0 =	vshrl.u32 v0, $0x10  }
0x32: {  	v2 =	vld [tilespmem:s17+$0x20];
	[tilespmem:s18+$0x2840] =	vst v0;
	v51 =	vshrl.u32 v1, $0x10  }
0x33: {  	v52 =	vld [tilespmem:s17+$0x30];
	[tilespmem:s18+$0x2850] =	vst v51;
	v53 =	vshrl.u32 v4, $0x10  }
0x34: {  	v54 =	vld [tilespmem:s17+$0x40];
	[tilespmem:s18+$0x2860] =	vst v53;
	v55 =	vshrl.u32 v6, $0x10  }
0x35: {  	v56 =	vld [tilespmem:s17+$0x50];
	v5 =	vshrl.u32 v5, $0x10;
	[tilespmem:s17+$0x2870] =	vst v55  }
0x36: {  	v58 =	vld [tilespmem:s17+$0x60];
	[tilespmem:s17+$0x2800] =	vst v5;
	v57 =	vshrl.u32 v3, $0x10  }
0x37: {  	[tilespmem:s17+$0x2810] =	vst v57;
	v59 =	vshrl.u32 v2, $0x10  }
0x38: {  	[tilespmem:s17+$0x2820] =	vst v59;
	v60 =	vshrl.u32 v52, $0x10  }
0x39: {  	[tilespmem:s17+$0x2830] =	vst v60;
	v61 =	vshrl.u32 v54, $0x10  }
0x3a: {  	[tilespmem:s17+$0x2840] =	vst v61;
	v62 =	vshrl.u32 v56, $0x10  }
0x3b: {  	v63 =	vshrl.u32 v58, $0x10;
	[tilespmem:s17+$0x2850] =	vst v62  }
0x3c: {  	[tilespmem:s17+$0x2860] =	vst v63  }
0x3d: {  	s17 =	simm.s32 $0x0;
	[bflag:$0x0] =	sbarrier.arrive $0xFFFF  }
.LBB2_4:
0x3e: {  	p0 =	sne.s32 s17, $0x9E00  }
.Ltmp1:
0x3f: {  	_ = 	snop;
	(pc) =	sbr.rel @p0 .LBB2_4-.Ltmp1, $4  }
0x40: {  	_ = 	snop  }
0x41: {  	s18 =	sshra.s32 s17, $0x2  }
0x42: {  	s17 =	sadd.s32 $0x200, s17;
	s18 =	sadd.s32 $0x2800, s18  }
0x43: {  	[spmem:s1] =	stream.indirect.scatter.add.f32 [tilespmem:s12], [sflag:$0x1], $0x1, s18, s13, $0xb8;
	[tilespmem:$0x5588] =	vst v63  }
0x44: {  	_ =	swait.ge [sflag:s14], $0x80  }
0x45: {  	s17 =	simm.s32 $0x4F;
	[sflag:s14] =	ssyncset.done $0x0  }
.LBB2_6:
0x46: {  	p0 =	sne.s32 s17, $0x1;
	s17 =	sadd.s32 $0xFFFFFFFF, s17;
	[sflag:s14] =	ssyncadd.s32 $0xFFFFFF80  }
.Ltmp2:
0x47: {  	(pc) =	sbr.rel @p0 .LBB2_6-.Ltmp2, $3  }
0x48: {  	_ =	sdelay $0x1  }
0x49: {  	_ =	swait.ge [sflag:s14], $0x80  }
0x4a: {  	[sflag:s14] =	ssyncset.done $0x0  }
0x4b: {  	[sflag:s14] =	ssyncadd.s32 $0xFFFFFF80  }
0x4c: {  	[bflag:$0x0] =	sbarrier.arrive $0xFFFF  }
0x4d: {  	[tilespmem:s11], [sflag:$0x2] =	stream.linear.gather [spmem:s7], $0x280, $0x38;
	[tilespmem:$0x5588] =	vst v63  }
0x4e: {  	s16 =	sadd.s32 $0x1, s16;
	_ =	swait.ge [sflag:s10], $0x280  }
0x4f: {  	p0 =	sne.s32 s16, s9;
	[sflag:s10] =	ssyncset.done $0x0  }
.Ltmp3:
0x50: {  	[sflag:s10] =	ssyncadd.s32 $0xFFFFFD80;
	(pc) =	sbr.rel @p0 .LBB2_1-.Ltmp3, $4  }
0x51: {  	[hbm4b:s8+s13] =	stream.strided.scatter [tilespmem:s11], [sflag:$0x2], $0x280, s15, s13, $0x38;
	[tilespmem:$0x5588] =	vst v63  }
0x52: {  	_ =	swait.ge [sflag:s10], $0x280  }
0x53: {  	[sflag:s10] =	ssyncset.done $0x0  }
0x54: {  	[sflag:s10] =	ssyncadd.s32 $0xFFFFFD80  }
0x55: {  	_ =	sfence.sel $0x180000  }
0x56: {  	[bflag:$0x0] =	sbarrier.arrive $0xFFFF  }
0x57: {  	p0 =	sne.s32 s2, $0x0;
	_ =	strace $0x90000047  }
0x58: {  	s0 =	sadd.s32 @!p0 $0x100000, s0;
	[bflag:$0x2] =	sbarrier.arrive $0xFFFF  }
0x59: {  	[sflag:s0] =	ssyncadd.tile.s32 @!p0 $0x1;
	_ =	shalt  }
.Lfunc_end2:
_tile_overlayer_lowered:
.L_overlay_start_2:
0x5a: {  	(tag) =	ssettag $0x2  }
0x5b: {  	s0 =	rddreg [dreg:$0x0];
	s2 =	stileid.u32  }
0x5c: {  	s1 =	rddreg [dreg:$0x1];
	p0 =	sne.s32 s2, $0x0  }
0x5d: {  	s3 =	rddreg [dreg:$0x2];
	[bflag:$0x3] =	sbarrier.arrive $0xFFFF;
	s2 =	simm.s32 @!p0 $0x1C02  }
0x5e: {  	[timem:s3], [sflag:s2] =	dma.local @!p0 [hbm:s0], s1  }
0x5f: {  	s0 =	simm.s32 @!p0 $0x2  }
0x60: {  	_ =	swait.ge @!p0 [sflag:s0], s1  }
0x61: {  	s1 =	ssub.s32 @!p0 $0x0, s1;
	[sflag:s0] =	ssyncset.done @!p0 $0x0  }
0x62: {  	[sflag:s0] =	ssyncadd.s32 @!p0 s1  }
0x63: {  	[bflag:$0x3] =	sbarrier.arrive $0xFFFF  }
0x64: {  	_ =	shalt  }

</sc_bundles>
